<compile_context>
chip_gen: v7x
topology: tpu7x:2x2x1
jax: 0.10.2.dev20260603
libtpu: 0.0.44.dev20260713+nightly
codegen_flags: <defaults>
</compile_context>

<pallas_src>
import functools

import jax
import jax.numpy as jnp
from jax import lax
from jax.experimental import pallas as pl
from jax.experimental.pallas import tpu as pltpu
from jax.experimental.pallas import tpu_sc as plsc

QN = 1024
D = 768
K = 100000
CH = 128
KP = 100352
NCH = KP // CH
NCHP = 896
KB = 1024
CPB = KB // CH
NKB = KP // KB
NSEL = 32
L = 200
LP = 512
BIG = 3.0e38
IBIG = 2**31 - 1

NC = 2
NS = 16
NW = NC * NS
QPT = QN // NW
SB = 8
NSB = QPT // SB



def _tc_body(q_ref, k_ref, q2_ref, k2_ref, d2_ref, sel_ref, tile_ref,
             cmin_ref):
    kstep = pl.program_id(0)
    qb = q_ref[...]
    kb = k_ref[...]
    dn = (((1,), (1,)), ((), ()))
    qk = lax.dot_general(qb.astype(jnp.bfloat16), kb.astype(jnp.bfloat16),
                         dn, preferred_element_type=jnp.float32)
    d2 = (q2_ref[...] + k2_ref[...]) - 2.0 * qk
    _store_chunks(d2, d2_ref, tile_ref, cmin_ref, kstep)

    @pl.when(kstep == NKB - 1)
    def _():
        _select_chunks(sel_ref, cmin_ref)


def _store_chunks(d2, d2_ref, tile_ref, cmin_ref, kstep):
    mins = []
    for j in range(CPB):
        sl = d2[:, j * CH:(j + 1) * CH]
        d2_ref[:, j, :] = sl
        mins.append(jnp.min(sl, axis=1, keepdims=True))
    m8 = jnp.concatenate(
        mins + [jnp.full((QN, 128 - CPB), BIG, jnp.float32)], axis=1)
    rolled = pltpu.roll(m8, (kstep % 16) * CPB, 1)
    tile = jnp.where(kstep % 16 == 0,
                     jnp.full((QN, 128), BIG, jnp.float32), tile_ref[...])
    tile_ref[...] = jnp.minimum(tile, rolled)

    @pl.when((kstep % 16 == 15) | (kstep == NKB - 1))
    def _():
        base = pl.multiple_of((kstep // 16) * 128, 128)
        cmin_ref[:, pl.ds(base, 128)] = tile_ref[...]


def _select_chunks(sel_ref, cmin_ref):
    lane = lax.broadcasted_iota(jnp.int32, (QN, NCHP), 1)
    lane32 = lax.broadcasted_iota(jnp.int32, (QN, NSEL), 1)

    def step(i, sel):
        c = cmin_ref[...]
        m = jnp.min(c, axis=1, keepdims=True)
        idx = jnp.min(jnp.where(c == m, lane, NCHP), axis=1, keepdims=True)
        sel = jnp.where(lane32 == i, idx, sel)
        cmin_ref[...] = jnp.where(lane == idx, BIG, c)
        return sel

    sel_ref[...] = lax.fori_loop(
        0, NSEL, step, jnp.zeros((QN, NSEL), jnp.int32))


def _tc_distance_select(queries, keys_p, q2, k2p):
    return pl.pallas_call(
        _tc_body,
        grid=(NKB,),
        in_specs=[
            pl.BlockSpec((QN, D), lambda k: (0, 0)),
            pl.BlockSpec((KB, D), lambda k: (k, 0)),
            pl.BlockSpec((QN, 1), lambda k: (0, 0)),
            pl.BlockSpec((1, KB), lambda k: (0, k)),
        ],
        out_specs=[
            pl.BlockSpec((QN, CPB, CH), lambda k: (0, k, 0)),
            pl.BlockSpec((QN, NSEL), lambda k: (0, 0)),
        ],
        out_shape=[
            jax.ShapeDtypeStruct((QN, NCH, CH), jnp.float32),
            jax.ShapeDtypeStruct((QN, NSEL), jnp.int32),
        ],
        scratch_shapes=[
            pltpu.VMEM((QN, 128), jnp.float32),
            pltpu.VMEM((QN, NCHP), jnp.float32),
        ],
        compiler_params=pltpu.CompilerParams(
            dimension_semantics=("arbitrary",),
        ),
    )(queries, keys_p, q2, k2p)



def _iota16():
    return lax.iota(jnp.int32, 16)


def _sc_body(d2f, selh, payh,
             otdh, oindh, opayh,
             cid_v, idx_v, gath_v, cand_v, candg_v,
             otd_v, oind_v, pidx_v, pay_v, sem):
    wid = lax.axis_index("s") * NC + lax.axis_index("c")
    qbase = wid * QPT

    pltpu.sync_copy(selh.at[pl.ds(qbase, QPT)], cid_v)

    def sub_batch(sb, _):
        q0 = qbase + sb * SB

        def mk_idx(qi, _):
            for h in range(2):
                cid = cid_v[sb * SB + qi, pl.ds(h * 16, 16)]
                idx_v[pl.ds(qi * NSEL + h * 16, 16)] = (
                    (q0 + qi) * NCH + cid)
            return 0
        lax.fori_loop(0, SB, mk_idx, 0)

        pltpu.async_copy(d2f.at[idx_v], gath_v, sem).wait()

        def select_q(qi, _):
            def chunk_min(c, t0):
                m = gath_v[qi * NSEL + c, pl.ds(0, 16)]
                for o in range(1, 8):
                    m = jnp.minimum(m, gath_v[qi * NSEL + c, pl.ds(o * 16, 16)])
                return jnp.maximum(t0, jnp.min(m))
            t0 = lax.fori_loop(0, NSEL, chunk_min, -BIG)

            def compact(c, cursor):
                cidv = plsc.load_gather(
                    cid_v, [jnp.full((16,), sb * SB + qi, jnp.int32),
                            jnp.full((16,), c, jnp.int32)])
                gbase = cidv * CH
                for o in range(8):
                    v = gath_v[qi * NSEL + c, pl.ds(o * 16, 16)]
                    g = gbase + (o * 16 + _iota16())
                    msk = v <= t0
                    plsc.store_compressed(cand_v.at[pl.ds(cursor, 16)], v,
                                          mask=msk)
                    plsc.store_compressed(candg_v.at[pl.ds(cursor, 16)], g,
                                          mask=msk)
                    cnt = plsc.all_reduce_population_count(msk)
                    cnt = jnp.max(cnt) if cnt.ndim else cnt
                    cursor = cursor + cnt
                return cursor
            cursor = lax.fori_loop(0, NSEL, compact, jnp.int32(0))

            cand_v[pl.ds(cursor, 16)] = jnp.full((16,), BIG, jnp.float32)
            candg_v[pl.ds(cursor, 16)] = jnp.full((16,), IBIG, jnp.int32)
            nv = (cursor + 15) // 16

            def extract(i, carry):
                od0, od1, oi0, oi1 = carry

                def vmin_pass(j, acc):
                    return jnp.minimum(acc, cand_v[pl.ds(j * 16, 16)])
                vmin = jnp.min(lax.fori_loop(
                    0, nv, vmin_pass, jnp.full((16,), BIG, jnp.float32)))

                def gmin_pass(j, acc):
                    v = cand_v[pl.ds(j * 16, 16)]
                    g = candg_v[pl.ds(j * 16, 16)]
                    return jnp.minimum(acc, jnp.where(v == vmin, g, IBIG))
                gmin = jnp.min(lax.fori_loop(
                    0, nv, gmin_pass, jnp.full((16,), IBIG, jnp.int32)))

                def kill_pass(j, _):
                    v = cand_v[pl.ds(j * 16, 16)]
                    g = candg_v[pl.ds(j * 16, 16)]
                    cand_v[pl.ds(j * 16, 16)] = jnp.where(
                        (v == vmin) & (g == gmin), BIG, v)
                    return 0
                lax.fori_loop(0, nv, kill_pass, 0)

                lm = _iota16() == (i % 16)
                lo = i < 16
                od0 = jnp.where(lm & lo, vmin, od0)
                oi0 = jnp.where(lm & lo, gmin, oi0)
                od1 = jnp.where(lm & (~lo), vmin, od1)
                oi1 = jnp.where(lm & (~lo), gmin, oi1)
                return od0, od1, oi0, oi1

            z16f = jnp.zeros((16,), jnp.float32)
            z16i = jnp.zeros((16,), jnp.int32)
            od0, od1, oi0, oi1 = lax.fori_loop(
                0, NSEL, extract, (z16f, z16f, z16i, z16i))

            otd_v[qi, pl.ds(0, 16)] = od0
            otd_v[qi, pl.ds(16, 16)] = od1
            oind_v[qi, pl.ds(0, 16)] = oi0
            oind_v[qi, pl.ds(16, 16)] = oi1
            pidx_v[qi // 4, pl.ds((qi % 4) * NSEL, 16)] = oi0
            pidx_v[qi // 4, pl.ds((qi % 4) * NSEL + 16, 16)] = oi1
            return 0
        lax.fori_loop(0, SB, select_q, 0)

        pltpu.sync_copy(otd_v, otdh.at[pl.ds(q0, SB)])
        pltpu.sync_copy(oind_v, oindh.at[pl.ds(q0, SB)])

        rows0 = q0 * NSEL
        half = SB * NSEL // 2
        for hh in range(2):
            pltpu.async_copy(payh.at[pidx_v.at[hh]], pay_v, sem).wait()
            pltpu.sync_copy(pay_v, opayh.at[pl.ds(rows0 + hh * half, half)])
        return 0

    lax.fori_loop(0, NSB, sub_batch, 0)


def _sc_topk_gather(d2f, sel_ids, pay):
    mesh = plsc.VectorSubcoreMesh(core_axis_name="c", subcore_axis_name="s",
                                  num_cores=NC, num_subcores=NS)
    fn = functools.partial(
        pl.kernel,
        out_type=(
            jax.ShapeDtypeStruct((QN, NSEL), jnp.float32),
            jax.ShapeDtypeStruct((QN, NSEL), jnp.int32),
            jax.ShapeDtypeStruct((QN * NSEL, LP), jnp.int32),
        ),
        mesh=mesh,
        scratch_types=[
            pltpu.VMEM((QPT, NSEL), jnp.int32),
            pltpu.VMEM((SB * NSEL,), jnp.int32),
            pltpu.VMEM((SB * NSEL, CH), jnp.float32),
            pltpu.VMEM((NSEL * CH + 16,), jnp.float32),
            pltpu.VMEM((NSEL * CH + 16,), jnp.int32),
            pltpu.VMEM((SB, NSEL), jnp.float32),
            pltpu.VMEM((SB, NSEL), jnp.int32),
            pltpu.VMEM((2, SB * NSEL // 2), jnp.int32),
            pltpu.VMEM((SB * NSEL // 2, LP), jnp.int32),
            pltpu.SemaphoreType.DMA,
        ],
        compiler_params=pltpu.CompilerParams(needs_layout_passes=False),
    )(_sc_body)
    return fn(d2f, sel_ids, pay)



def kernel(queries, keys, stored_input_ids, stored_masks,
           start_positions, end_positions):
    keys_p = jnp.pad(keys, ((0, KP - K), (0, 0)))
    q2 = jnp.sum(queries * queries, axis=1, keepdims=True)
    k2 = jnp.sum(keys * keys, axis=1)
    k2p = jnp.concatenate([k2, jnp.full((KP - K,), BIG, jnp.float32)])[None, :]
    pay = jnp.concatenate(
        [stored_input_ids, stored_masks,
         start_positions[:, None], end_positions[:, None],
         jnp.zeros((K, LP - 2 * L - 2), jnp.int32)], axis=1)
    d2r, sel_ids = _tc_distance_select(queries, keys_p, q2, k2p)
    d2f = d2r.reshape(QN * NCH, CH)
    otd, oind, opay = _sc_topk_gather(d2f, sel_ids, pay)
    return (otd,
            opay[:, :L].reshape(QN, NSEL, L),
            opay[:, L:2 * L].reshape(QN, NSEL, L),
            opay[:, 2 * L].reshape(QN, NSEL),
            opay[:, 2 * L + 1].reshape(QN, NSEL),
            oind)

# --- scband reference (transcript-rebuilt; emitter-appended) ---
"""Pipeline reference for scband-qamemory-81131932221505 (READ-ONLY COPY).

The authoritative reference and input builder live on the scoring server;
editing this copy changes nothing except your own understanding.
"""

import jax, jax.numpy as jnp
import numpy as np

N_NEIGHBORS = 32


def setup_inputs(seed: int = 0) -> dict:
    key = jax.random.key(seed)
    ks = jax.random.split(key, 6)
    Q, K, D, L = 1024, 100000, 768, 200
    return {
        "queries": jax.random.normal(ks[0], (Q, D), dtype=jnp.float32),
        "keys": jax.random.normal(ks[1], (K, D), dtype=jnp.float32),
        "stored_input_ids": jax.random.randint(ks[2], (K, L), 0, 30522, dtype=jnp.int32),
        "stored_masks": jax.random.randint(ks[3], (K, L), 0, 2, dtype=jnp.int32),
        "start_positions": jax.random.randint(ks[4], (K,), 0, L, dtype=jnp.int32),
        "end_positions": jax.random.randint(ks[5], (K,), 0, L, dtype=jnp.int32),
    }


def reference(queries, keys, stored_input_ids, stored_masks, start_positions, end_positions):
    # QAMemory.query: embed queries (CLS vectors given directly here), find
    # n_neighbors nearest stored keys by euclidean distance (sklearn
    # NearestNeighbors default), then gather the stored QA payloads.
    q2 = jnp.sum(queries * queries, axis=1, keepdims=True)          # [Q, 1]
    k2 = jnp.sum(keys * keys, axis=1)                               # [K]
    d2 = q2 + k2[None, :] - 2.0 * (queries @ keys.T)                # [Q, K]
    neg_vals, inds = jax.lax.top_k(-d2, N_NEIGHBORS)                # [Q, n]
    topk_dists = -neg_vals                                          # squared euclidean dists
    # gather stored payloads for each retrieved neighbor
    nb_input_ids = jnp.take(stored_input_ids, inds, axis=0)         # [Q, n, L]
    nb_masks = jnp.take(stored_masks, inds, axis=0)                 # [Q, n, L]
    nb_start = jnp.take(start_positions, inds, axis=0)              # [Q, n]
    nb_end = jnp.take(end_positions, inds, axis=0)                  # [Q, n]
    return (topk_dists, nb_input_ids, nb_masks, nb_start, nb_end, inds)

if __name__ == "__main__":
    import jax
    _d = setup_inputs()
    print(jax.jit(kernel)(*tuple(_d.values())))

</pallas_src>

<mosaic_0001>
#map = affine_map<(d0, d1) -> (0, 0)>
module attributes {stable_mosaic.version = 14 : i64} {
  func.func @_sc_body(%arg0: i32, %arg1: i32, %arg2: memref<802816x128xf32, #tpu.memory_space<hbm>>, %arg3: memref<1024x32xi32, #tpu.memory_space<hbm>>, %arg4: memref<100000x512xi32, #tpu.memory_space<hbm>>, %arg5: memref<1024x32xf32, #tpu.memory_space<hbm>>, %arg6: memref<1024x32xi32, #tpu.memory_space<hbm>>, %arg7: memref<32768x512xi32, #tpu.memory_space<hbm>>, %arg8: memref<32x32xi32, #tpu.memory_space<vmem>>, %arg9: memref<256xi32, #tpu.memory_space<vmem>>, %arg10: memref<256x128xf32, #tpu.memory_space<vmem>>, %arg11: memref<4112xf32, #tpu.memory_space<vmem>>, %arg12: memref<4112xi32, #tpu.memory_space<vmem>>, %arg13: memref<8x32xf32, #tpu.memory_space<vmem>>, %arg14: memref<8x32xi32, #tpu.memory_space<vmem>>, %arg15: memref<2x128xi32, #tpu.memory_space<vmem>>, %arg16: memref<128x512xi32, #tpu.memory_space<vmem>>, %arg17: memref<!tpu.dma_semaphore, #tpu.memory_space<semaphore_mem>>) attributes {dimension_semantics = [#tpu.dimension_semantics<core_parallel>, #tpu.dimension_semantics<subcore_parallel>], iteration_bounds = array<i64: 2, 16>, scalar_prefetch = 0 : i64, scratch_operands = 10 : i64, tpu.core_type = #tpu.core_type<sc_vector_subcore>, window_params = [{transform_indices = #map}, {transform_indices = #map}, {transform_indices = #map}, {transform_indices = #map}, {transform_indices = #map}, {transform_indices = #map}]} {
    %mul3A = arith.constant 2 : i32
    %mul3A_0 = arith.muli %arg1, %mul3A : i32
    %add3A = arith.addi %mul3A_0, %arg0 : i32
    %mul3A_1 = arith.constant 32 : i32
    %mul3A_2 = arith.muli %add3A, %mul3A_1 : i32
    "tpu.region"() ({
      %run_scoped3A = tpu.sem_alloc : memref<!tpu.dma_semaphore, #tpu.memory_space<semaphore_mem>>
      %dma_start3A = arith.constant 0 : i32
      %dma_start3A_9 = tpu.memref_slice %arg3[%mul3A_2, %dma_start3A] : memref<1024x32xi32, #tpu.memory_space<hbm>> -> memref<32x32xi32, #tpu.memory_space<hbm>>
      %dma_start3A_10 = arith.constant 0 : i32
      %dma_start3A_11 = tpu.memref_slice %arg3[%mul3A_2, %dma_start3A_10] : memref<1024x32xi32, #tpu.memory_space<hbm>> -> memref<32x32xi32, #tpu.memory_space<hbm>>
      tpu.enqueue_dma source(%dma_start3A_11 : memref<32x32xi32, #tpu.memory_space<hbm>>) target(%arg8 : memref<32x32xi32, #tpu.memory_space<vmem>>) target_semaphore(%run_scoped3A : memref<!tpu.dma_semaphore, #tpu.memory_space<semaphore_mem>>)
      %dma_wait3A = arith.constant 0 : i32
      %dma_wait3A_12 = tpu.memref_slice %arg3[%mul3A_2, %dma_wait3A] : memref<1024x32xi32, #tpu.memory_space<hbm>> -> memref<32x32xi32, #tpu.memory_space<hbm>>
      %dma_wait3A_13 = arith.constant 0 : i32
      %dma_wait3A_14 = tpu.memref_slice %arg3[%mul3A_2, %dma_wait3A_13] : memref<1024x32xi32, #tpu.memory_space<hbm>> -> memref<32x32xi32, #tpu.memory_space<hbm>>
      tpu.wait_dma2 semaphore(%run_scoped3A : memref<!tpu.dma_semaphore, #tpu.memory_space<semaphore_mem>>) src(%dma_wait3A_14 : memref<32x32xi32, #tpu.memory_space<hbm>>) dst(%arg8 : memref<32x32xi32, #tpu.memory_space<vmem>>)
      tpu.yield
    }) : () -> ()
    %scan3A = arith.constant 0 : i32
    %scan3A_3 = arith.constant 0 : i32
    %scan3A_4 = arith.constant 4 : i32
    %scan3A_5 = arith.addi %scan3A_3, %scan3A_4 : i32
    %scan3A_6 = arith.constant 1 : i32
    %scan3A_7 = scf.for %scan3A_9 = %scan3A_3 to %scan3A_5 step %scan3A_6 iter_args(%scan3A_10 = %scan3A) -> (i32)  : i32 {
      %mul3A_11 = arith.constant 8 : i32
      %mul3A_12 = arith.muli %scan3A_9, %mul3A_11 : i32
      %add3A_13 = arith.addi %mul3A_2, %mul3A_12 : i32
      %scan3A_14 = arith.constant 0 : i32
      %scan3A_15 = arith.constant 0 : i32
      %scan3A_16 = arith.constant 8 : i32
      %scan3A_17 = arith.addi %scan3A_15, %scan3A_16 : i32
      %scan3A_18 = arith.constant 1 : i32
      %scan3A_19 = scf.for %scan3A_67 = %scan3A_15 to %scan3A_17 step %scan3A_18 iter_args(%scan3A_68 = %scan3A_14) -> (i32)  : i32 {
        %mul3A_69 = arith.constant 8 : i32
        %mul3A_70 = arith.muli %scan3A_9, %mul3A_69 : i32
        %add3A_71 = arith.addi %mul3A_70, %scan3A_67 : i32
        %get3A = arith.index_cast %add3A_71 : i32 to index
        %get3A_72 = arith.constant 0 : index
        %get3A_73 = tpu.vector_load %arg8[%get3A, %get3A_72] {strides = array<i32>} : memref<32x32xi32, #tpu.memory_space<vmem>>, vector<16xi32>,
        %add3A_74 = arith.addi %add3A_13, %scan3A_67 : i32
        %mul3A_75 = arith.constant 784 : i32
        %mul3A_76 = arith.muli %add3A_74, %mul3A_75 : i32
        %add3A_77 = vector.broadcast %mul3A_76 : i32 to vector<16xi32>
        %add3A_78 = arith.addi %add3A_77, %get3A_73 : vector<16xi32>
        %mul3A_79 = arith.constant 32 : i32
        %mul3A_80 = arith.muli %scan3A_67, %mul3A_79 : i32
        %add3A_81 = arith.constant 0 : i32
        %add3A_82 = arith.addi %mul3A_80, %add3A_81 : i32
        %swap3A = arith.index_cast %add3A_82 : i32 to index
        %swap3A_83 = tpu.vector_load %arg9[%swap3A] {strides = array<i32>} : memref<256xi32, #tpu.memory_space<vmem>>, vector<16xi32>,
        tpu.vector_store %arg9[%swap3A], %add3A_78 {strides = array<i32>} : memref<256xi32, #tpu.memory_space<vmem>>, vector<16xi32>,
        %mul3A_84 = arith.constant 8 : i32
        %mul3A_85 = arith.muli %scan3A_9, %mul3A_84 : i32
        %add3A_86 = arith.addi %mul3A_85, %scan3A_67 : i32
        %get3A_87 = arith.index_cast %add3A_86 : i32 to index
        %get3A_88 = arith.constant 16 : index
        %get3A_89 = tpu.vector_load %arg8[%get3A_87, %get3A_88] {strides = array<i32>} : memref<32x32xi32, #tpu.memory_space<vmem>>, vector<16xi32>,
        %add3A_90 = arith.addi %add3A_13, %scan3A_67 : i32
        %mul3A_91 = arith.constant 784 : i32
        %mul3A_92 = arith.muli %add3A_90, %mul3A_91 : i32
        %add3A_93 = vector.broadcast %mul3A_92 : i32 to vector<16xi32>
        %add3A_94 = arith.addi %add3A_93, %get3A_89 : vector<16xi32>
        %mul3A_95 = arith.constant 32 : i32
        %mul3A_96 = arith.muli %scan3A_67, %mul3A_95 : i32
        %add3A_97 = arith.constant 16 : i32
        %add3A_98 = arith.addi %mul3A_96, %add3A_97 : i32
        %swap3A_99 = arith.index_cast %add3A_98 : i32 to index
        %swap3A_100 = tpu.vector_load %arg9[%swap3A_99] {strides = array<i32>} : memref<256xi32, #tpu.memory_space<vmem>>, vector<16xi32>,
        tpu.vector_store %arg9[%swap3A_99], %add3A_94 {strides = array<i32>} : memref<256xi32, #tpu.memory_space<vmem>>, vector<16xi32>,
        %scan3A_101 = arith.constant 0 : i32
        scf.yield %scan3A_101 : i32
      }
      %scan3A_20 = arith.constant 8 : i32
      %dma_start3A = arith.constant 0 : i32
      %dma_start3A_21 = arith.constant 0 : i32
      %dma_start3A_22 = tpu.memref_slice %arg2[%dma_start3A, %dma_start3A_21] : memref<802816x128xf32, #tpu.memory_space<hbm>> -> memref<802816x128xf32, #tpu.memory_space<hbm>>
      tpu.enqueue_indirect_dma source(%dma_start3A_22 : memref<802816x128xf32, #tpu.memory_space<hbm>>) target(%arg10 : memref<256x128xf32, #tpu.memory_space<vmem>>) offsets(%arg9 : memref<256xi32, #tpu.memory_space<vmem>>) semaphore(%arg17 : memref<!tpu.dma_semaphore, #tpu.memory_space<semaphore_mem>>)
      %dma_wait3A = arith.constant 0 : i32
      %dma_wait3A_23 = arith.constant 0 : i32
      %dma_wait3A_24 = tpu.memref_slice %arg2[%dma_wait3A, %dma_wait3A_23] : memref<802816x128xf32, #tpu.memory_space<hbm>> -> memref<802816x128xf32, #tpu.memory_space<hbm>>
      tpu.wait_indirect_dma semaphore(%arg17 : memref<!tpu.dma_semaphore, #tpu.memory_space<semaphore_mem>>) src(%dma_wait3A_24 : memref<802816x128xf32, #tpu.memory_space<hbm>>) dst(%arg10 : memref<256x128xf32, #tpu.memory_space<vmem>>)
      %scan3A_25 = arith.constant 0 : i32
      %scan3A_26 = arith.constant 0 : i32
      %scan3A_27 = arith.constant 8 : i32
      %scan3A_28 = arith.addi %scan3A_26, %scan3A_27 : i32
      %scan3A_29 = arith.constant 1 : i32
      %scan3A_30 = scf.for %scan3A_67 = %scan3A_26 to %scan3A_28 step %scan3A_29 iter_args(%scan3A_68 = %scan3A_25) -> (i32)  : i32 {
        %scan3A_69 = arith.constant -3.000000e+38 : f32
        %scan3A_70 = arith.constant 0 : i32
        %scan3A_71 = arith.constant 32 : i32
        %scan3A_72 = arith.addi %scan3A_70, %scan3A_71 : i32
        %scan3A_73 = arith.constant 1 : i32
        %scan3A_74 = scf.for %scan3A_220 = %scan3A_70 to %scan3A_72 step %scan3A_73 iter_args(%scan3A_221 = %scan3A_69) -> (f32)  : i32 {
          %mul3A_222 = arith.constant 32 : i32
          %mul3A_223 = arith.muli %scan3A_67, %mul3A_222 : i32
          %add3A_224 = arith.addi %mul3A_223, %scan3A_220 : i32
          %get3A = arith.index_cast %add3A_224 : i32 to index
          %get3A_225 = arith.constant 0 : index
          %get3A_226 = tpu.vector_load %arg10[%get3A, %get3A_225] {strides = array<i32>} : memref<256x128xf32, #tpu.memory_space<vmem>>, vector<16xf32>,
          %mul3A_227 = arith.constant 32 : i32
          %mul3A_228 = arith.muli %scan3A_67, %mul3A_227 : i32
          %add3A_229 = arith.addi %mul3A_228, %scan3A_220 : i32
          %get3A_230 = arith.index_cast %add3A_229 : i32 to index
          %get3A_231 = arith.constant 16 : index
          %get3A_232 = tpu.vector_load %arg10[%get3A_230, %get3A_231] {strides = array<i32>} : memref<256x128xf32, #tpu.memory_space<vmem>>, vector<16xf32>,
          %min3A = arith.minimumf %get3A_226, %get3A_232 : vector<16xf32>
          %mul3A_233 = arith.constant 32 : i32
          %mul3A_234 = arith.muli %scan3A_67, %mul3A_233 : i32
          %add3A_235 = arith.addi %mul3A_234, %scan3A_220 : i32
          %get3A_236 = arith.index_cast %add3A_235 : i32 to index
          %get3A_237 = arith.constant 32 : index
          %get3A_238 = tpu.vector_load %arg10[%get3A_236, %get3A_237] {strides = array<i32>} : memref<256x128xf32, #tpu.memory_space<vmem>>, vector<16xf32>,
          %min3A_239 = arith.minimumf %min3A, %get3A_238 : vector<16xf32>
          %mul3A_240 = arith.constant 32 : i32
          %mul3A_241 = arith.muli %scan3A_67, %mul3A_240 : i32
          %add3A_242 = arith.addi %mul3A_241, %scan3A_220 : i32
          %get3A_243 = arith.index_cast %add3A_242 : i32 to index
          %get3A_244 = arith.constant 48 : index
          %get3A_245 = tpu.vector_load %arg10[%get3A_243, %get3A_244] {strides = array<i32>} : memref<256x128xf32, #tpu.memory_space<vmem>>, vector<16xf32>,
          %min3A_246 = arith.minimumf %min3A_239, %get3A_245 : vector<16xf32>
          %mul3A_247 = arith.constant 32 : i32
          %mul3A_248 = arith.muli %scan3A_67, %mul3A_247 : i32
          %add3A_249 = arith.addi %mul3A_248, %scan3A_220 : i32
          %get3A_250 = arith.index_cast %add3A_249 : i32 to index
          %get3A_251 = arith.constant 64 : index
          %get3A_252 = tpu.vector_load %arg10[%get3A_250, %get3A_251] {strides = array<i32>} : memref<256x128xf32, #tpu.memory_space<vmem>>, vector<16xf32>,
          %min3A_253 = arith.minimumf %min3A_246, %get3A_252 : vector<16xf32>
          %mul3A_254 = arith.constant 32 : i32
          %mul3A_255 = arith.muli %scan3A_67, %mul3A_254 : i32
          %add3A_256 = arith.addi %mul3A_255, %scan3A_220 : i32
          %get3A_257 = arith.index_cast %add3A_256 : i32 to index
          %get3A_258 = arith.constant 80 : index
          %get3A_259 = tpu.vector_load %arg10[%get3A_257, %get3A_258] {strides = array<i32>} : memref<256x128xf32, #tpu.memory_space<vmem>>, vector<16xf32>,
          %min3A_260 = arith.minimumf %min3A_253, %get3A_259 : vector<16xf32>
          %mul3A_261 = arith.constant 32 : i32
          %mul3A_262 = arith.muli %scan3A_67, %mul3A_261 : i32
          %add3A_263 = arith.addi %mul3A_262, %scan3A_220 : i32
          %get3A_264 = arith.index_cast %add3A_263 : i32 to index
          %get3A_265 = arith.constant 96 : index
          %get3A_266 = tpu.vector_load %arg10[%get3A_264, %get3A_265] {strides = array<i32>} : memref<256x128xf32, #tpu.memory_space<vmem>>, vector<16xf32>,
          %min3A_267 = arith.minimumf %min3A_260, %get3A_266 : vector<16xf32>
          %mul3A_268 = arith.constant 32 : i32
          %mul3A_269 = arith.muli %scan3A_67, %mul3A_268 : i32
          %add3A_270 = arith.addi %mul3A_269, %scan3A_220 : i32
          %get3A_271 = arith.index_cast %add3A_270 : i32 to index
          %get3A_272 = arith.constant 112 : index
          %get3A_273 = tpu.vector_load %arg10[%get3A_271, %get3A_272] {strides = array<i32>} : memref<256x128xf32, #tpu.memory_space<vmem>>, vector<16xf32>,
          %min3A_274 = arith.minimumf %min3A_267, %get3A_273 : vector<16xf32>
          %reduce_min3A = arith.constant true
          %reduce_min3A_275 = vector.broadcast %reduce_min3A : i1 to vector<16xi1>
          %reduce_min3A_276 = tpu.scan <min>, %min3A_274 masked %reduce_min3A_275 : vector<16xf32>, vector<16xi1> -> vector<16xf32>
          %reduce_min3A_277 = vector.extract %reduce_min3A_276[15] : f32 from vector<16xf32>
          %max3A = arith.maximumf %scan3A_221, %reduce_min3A_277 : f32
          scf.yield %max3A : f32
        }
        %scan3A_75 = arith.constant 32 : i32
        %scan3A_76 = arith.constant 0 : i32
        %scan3A_77 = arith.constant 0 : i32
        %scan3A_78 = arith.constant 32 : i32
        %scan3A_79 = arith.addi %scan3A_77, %scan3A_78 : i32
        %scan3A_80 = arith.constant 1 : i32
        %scan3A_81 = scf.for %scan3A_220 = %scan3A_77 to %scan3A_79 step %scan3A_80 iter_args(%scan3A_221 = %scan3A_76) -> (i32)  : i32 {
          %mul3A_222 = arith.constant 8 : i32
          %mul3A_223 = arith.muli %scan3A_9, %mul3A_222 : i32
          %add3A_224 = arith.addi %mul3A_223, %scan3A_67 : i32
          %broadcast_in_dim3A_225 = vector.broadcast %add3A_224 : i32 to vector<16xi32>
          %broadcast_in_dim3A_226 = vector.broadcast %scan3A_220 : i32 to vector<16xi32>
          %gather3A = tpu.vector_load_idx %arg8[%broadcast_in_dim3A_225, %broadcast_in_dim3A_226] : memref<32x32xi32, #tpu.memory_space<vmem>>[vector<16xi32>, vector<16xi32>], vector<16xi32>,
          %mul3A_227 = arith.constant 128 : i32
          %mul3A_228 = vector.broadcast %mul3A_227 : i32 to vector<16xi32>
          %mul3A_229 = arith.muli %gather3A, %mul3A_228 : vector<16xi32>
          %mul3A_230 = arith.constant 32 : i32
          %mul3A_231 = arith.muli %scan3A_67, %mul3A_230 : i32
          %add3A_232 = arith.addi %mul3A_231, %scan3A_220 : i32
          %get3A = arith.index_cast %add3A_232 : i32 to index
          %get3A_233 = arith.constant 0 : index
          %get3A_234 = tpu.vector_load %arg10[%get3A, %get3A_233] {strides = array<i32>} : memref<256x128xf32, #tpu.memory_space<vmem>>, vector<16xf32>,
          %iota3A = tpu.iota {dimensions = array<i32: 0>} : vector<16xi32>
          %add3A_235 = arith.constant 0 : i32
          %add3A_236 = vector.broadcast %add3A_235 : i32 to vector<16xi32>
          %add3A_237 = arith.addi %add3A_236, %iota3A : vector<16xi32>
          %add3A_238 = arith.addi %mul3A_229, %add3A_237 : vector<16xi32>
          %le3A = vector.broadcast %scan3A_74 : f32 to vector<16xf32>
          %le3A_239 = arith.cmpf ole, %get3A_234, %le3A : vector<16xf32>
          %swap3A_240 = arith.index_cast %scan3A_221 : i32 to index
          %swap3A_241 = tpu.vector_load %arg11[%swap3A_240] masked %le3A_239 {strides = array<i32>} : memref<4112xf32, #tpu.memory_space<vmem>>, vector<16xf32>, vector<16xi1>
          tpu.vector_store %arg11[%swap3A_240], %get3A_234 masked %le3A_239 {strides = array<i32>} : memref<4112xf32, #tpu.memory_space<vmem>>, vector<16xf32>, vector<16xi1>
          %swap3A_242 = arith.index_cast %scan3A_221 : i32 to index
          %swap3A_243 = tpu.vector_load %arg12[%swap3A_242] masked %le3A_239 {strides = array<i32>} : memref<4112xi32, #tpu.memory_space<vmem>>, vector<16xi32>, vector<16xi1>
          tpu.vector_store %arg12[%swap3A_242], %add3A_238 masked %le3A_239 {strides = array<i32>} : memref<4112xi32, #tpu.memory_space<vmem>>, vector<16xi32>, vector<16xi1>
          %all_reduce_population_count3A = tpu.all_reduce %le3A_239 {dim = 0 : i64, kind = #tpu.reduction_kind<sum>} : vector<16xi1> -> vector<16xi32>
          %reduce_max3A = arith.constant true
          %reduce_max3A_244 = vector.broadcast %reduce_max3A : i1 to vector<16xi1>
          %reduce_max3A_245 = arith.constant -2147483648 : i32
          %reduce_max3A_246 = vector.broadcast %reduce_max3A_245 : i32 to vector<16xi32>
          %reduce_max3A_247 = arith.xori %all_reduce_population_count3A, %reduce_max3A_246 : vector<16xi32>
          %reduce_max3A_248 = tpu.scan <max>, %reduce_max3A_247 masked %reduce_max3A_244 : vector<16xi32>, vector<16xi1> -> vector<16xi32>
          %reduce_max3A_249 = arith.xori %reduce_max3A_248, %reduce_max3A_246 : vector<16xi32>
          %reduce_max3A_250 = vector.extract %reduce_max3A_249[15] : i32 from vector<16xi32>
          %add3A_251 = arith.addi %scan3A_221, %reduce_max3A_250 : i32
          %mul3A_252 = arith.constant 32 : i32
          %mul3A_253 = arith.muli %scan3A_67, %mul3A_252 : i32
          %add3A_254 = arith.addi %mul3A_253, %scan3A_220 : i32
          %get3A_255 = arith.index_cast %add3A_254 : i32 to index
          %get3A_256 = arith.constant 16 : index
          %get3A_257 = tpu.vector_load %arg10[%get3A_255, %get3A_256] {strides = array<i32>} : memref<256x128xf32, #tpu.memory_space<vmem>>, vector<16xf32>,
          %iota3A_258 = tpu.iota {dimensions = array<i32: 0>} : vector<16xi32>
          %add3A_259 = arith.constant 16 : i32
          %add3A_260 = vector.broadcast %add3A_259 : i32 to vector<16xi32>
          %add3A_261 = arith.addi %add3A_260, %iota3A_258 : vector<16xi32>
          %add3A_262 = arith.addi %mul3A_229, %add3A_261 : vector<16xi32>
          %le3A_263 = vector.broadcast %scan3A_74 : f32 to vector<16xf32>
          %le3A_264 = arith.cmpf ole, %get3A_257, %le3A_263 : vector<16xf32>
          %swap3A_265 = arith.index_cast %add3A_251 : i32 to index
          %swap3A_266 = tpu.vector_load %arg11[%swap3A_265] masked %le3A_264 {strides = array<i32>} : memref<4112xf32, #tpu.memory_space<vmem>>, vector<16xf32>, vector<16xi1>
          tpu.vector_store %arg11[%swap3A_265], %get3A_257 masked %le3A_264 {strides = array<i32>} : memref<4112xf32, #tpu.memory_space<vmem>>, vector<16xf32>, vector<16xi1>
          %swap3A_267 = arith.index_cast %add3A_251 : i32 to index
          %swap3A_268 = tpu.vector_load %arg12[%swap3A_267] masked %le3A_264 {strides = array<i32>} : memref<4112xi32, #tpu.memory_space<vmem>>, vector<16xi32>, vector<16xi1>
          tpu.vector_store %arg12[%swap3A_267], %add3A_262 masked %le3A_264 {strides = array<i32>} : memref<4112xi32, #tpu.memory_space<vmem>>, vector<16xi32>, vector<16xi1>
          %all_reduce_population_count3A_269 = tpu.all_reduce %le3A_264 {dim = 0 : i64, kind = #tpu.reduction_kind<sum>} : vector<16xi1> -> vector<16xi32>
          %reduce_max3A_270 = arith.constant true
          %reduce_max3A_271 = vector.broadcast %reduce_max3A_270 : i1 to vector<16xi1>
          %reduce_max3A_272 = arith.constant -2147483648 : i32
          %reduce_max3A_273 = vector.broadcast %reduce_max3A_272 : i32 to vector<16xi32>
          %reduce_max3A_274 = arith.xori %all_reduce_population_count3A_269, %reduce_max3A_273 : vector<16xi32>
          %reduce_max3A_275 = tpu.scan <max>, %reduce_max3A_274 masked %reduce_max3A_271 : vector<16xi32>, vector<16xi1> -> vector<16xi32>
          %reduce_max3A_276 = arith.xori %reduce_max3A_275, %reduce_max3A_273 : vector<16xi32>
          %reduce_max3A_277 = vector.extract %reduce_max3A_276[15] : i32 from vector<16xi32>
          %add3A_278 = arith.addi %add3A_251, %reduce_max3A_277 : i32
          %mul3A_279 = arith.constant 32 : i32
          %mul3A_280 = arith.muli %scan3A_67, %mul3A_279 : i32
          %add3A_281 = arith.addi %mul3A_280, %scan3A_220 : i32
          %get3A_282 = arith.index_cast %add3A_281 : i32 to index
          %get3A_283 = arith.constant 32 : index
          %get3A_284 = tpu.vector_load %arg10[%get3A_282, %get3A_283] {strides = array<i32>} : memref<256x128xf32, #tpu.memory_space<vmem>>, vector<16xf32>,
          %iota3A_285 = tpu.iota {dimensions = array<i32: 0>} : vector<16xi32>
          %add3A_286 = arith.constant 32 : i32
          %add3A_287 = vector.broadcast %add3A_286 : i32 to vector<16xi32>
          %add3A_288 = arith.addi %add3A_287, %iota3A_285 : vector<16xi32>
          %add3A_289 = arith.addi %mul3A_229, %add3A_288 : vector<16xi32>
          %le3A_290 = vector.broadcast %scan3A_74 : f32 to vector<16xf32>
          %le3A_291 = arith.cmpf ole, %get3A_284, %le3A_290 : vector<16xf32>
          %swap3A_292 = arith.index_cast %add3A_278 : i32 to index
          %swap3A_293 = tpu.vector_load %arg11[%swap3A_292] masked %le3A_291 {strides = array<i32>} : memref<4112xf32, #tpu.memory_space<vmem>>, vector<16xf32>, vector<16xi1>
          tpu.vector_store %arg11[%swap3A_292], %get3A_284 masked %le3A_291 {strides = array<i32>} : memref<4112xf32, #tpu.memory_space<vmem>>, vector<16xf32>, vector<16xi1>
          %swap3A_294 = arith.index_cast %add3A_278 : i32 to index
          %swap3A_295 = tpu.vector_load %arg12[%swap3A_294] masked %le3A_291 {strides = array<i32>} : memref<4112xi32, #tpu.memory_space<vmem>>, vector<16xi32>, vector<16xi1>
          tpu.vector_store %arg12[%swap3A_294], %add3A_289 masked %le3A_291 {strides = array<i32>} : memref<4112xi32, #tpu.memory_space<vmem>>, vector<16xi32>, vector<16xi1>
          %all_reduce_population_count3A_296 = tpu.all_reduce %le3A_291 {dim = 0 : i64, kind = #tpu.reduction_kind<sum>} : vector<16xi1> -> vector<16xi32>
          %reduce_max3A_297 = arith.constant true
          %reduce_max3A_298 = vector.broadcast %reduce_max3A_297 : i1 to vector<16xi1>
          %reduce_max3A_299 = arith.constant -2147483648 : i32
          %reduce_max3A_300 = vector.broadcast %reduce_max3A_299 : i32 to vector<16xi32>
          %reduce_max3A_301 = arith.xori %all_reduce_population_count3A_296, %reduce_max3A_300 : vector<16xi32>
          %reduce_max3A_302 = tpu.scan <max>, %reduce_max3A_301 masked %reduce_max3A_298 : vector<16xi32>, vector<16xi1> -> vector<16xi32>
          %reduce_max3A_303 = arith.xori %reduce_max3A_302, %reduce_max3A_300 : vector<16xi32>
          %reduce_max3A_304 = vector.extract %reduce_max3A_303[15] : i32 from vector<16xi32>
          %add3A_305 = arith.addi %add3A_278, %reduce_max3A_304 : i32
          %mul3A_306 = arith.constant 32 : i32
          %mul3A_307 = arith.muli %scan3A_67, %mul3A_306 : i32
          %add3A_308 = arith.addi %mul3A_307, %scan3A_220 : i32
          %get3A_309 = arith.index_cast %add3A_308 : i32 to index
          %get3A_310 = arith.constant 48 : index
          %get3A_311 = tpu.vector_load %arg10[%get3A_309, %get3A_310] {strides = array<i32>} : memref<256x128xf32, #tpu.memory_space<vmem>>, vector<16xf32>,
          %iota3A_312 = tpu.iota {dimensions = array<i32: 0>} : vector<16xi32>
          %add3A_313 = arith.constant 48 : i32
          %add3A_314 = vector.broadcast %add3A_313 : i32 to vector<16xi32>
          %add3A_315 = arith.addi %add3A_314, %iota3A_312 : vector<16xi32>
          %add3A_316 = arith.addi %mul3A_229, %add3A_315 : vector<16xi32>
          %le3A_317 = vector.broadcast %scan3A_74 : f32 to vector<16xf32>
          %le3A_318 = arith.cmpf ole, %get3A_311, %le3A_317 : vector<16xf32>
          %swap3A_319 = arith.index_cast %add3A_305 : i32 to index
          %swap3A_320 = tpu.vector_load %arg11[%swap3A_319] masked %le3A_318 {strides = array<i32>} : memref<4112xf32, #tpu.memory_space<vmem>>, vector<16xf32>, vector<16xi1>
          tpu.vector_store %arg11[%swap3A_319], %get3A_311 masked %le3A_318 {strides = array<i32>} : memref<4112xf32, #tpu.memory_space<vmem>>, vector<16xf32>, vector<16xi1>
          %swap3A_321 = arith.index_cast %add3A_305 : i32 to index
          %swap3A_322 = tpu.vector_load %arg12[%swap3A_321] masked %le3A_318 {strides = array<i32>} : memref<4112xi32, #tpu.memory_space<vmem>>, vector<16xi32>, vector<16xi1>
          tpu.vector_store %arg12[%swap3A_321], %add3A_316 masked %le3A_318 {strides = array<i32>} : memref<4112xi32, #tpu.memory_space<vmem>>, vector<16xi32>, vector<16xi1>
          %all_reduce_population_count3A_323 = tpu.all_reduce %le3A_318 {dim = 0 : i64, kind = #tpu.reduction_kind<sum>} : vector<16xi1> -> vector<16xi32>
          %reduce_max3A_324 = arith.constant true
          %reduce_max3A_325 = vector.broadcast %reduce_max3A_324 : i1 to vector<16xi1>
          %reduce_max3A_326 = arith.constant -2147483648 : i32
          %reduce_max3A_327 = vector.broadcast %reduce_max3A_326 : i32 to vector<16xi32>
          %reduce_max3A_328 = arith.xori %all_reduce_population_count3A_323, %reduce_max3A_327 : vector<16xi32>
          %reduce_max3A_329 = tpu.scan <max>, %reduce_max3A_328 masked %reduce_max3A_325 : vector<16xi32>, vector<16xi1> -> vector<16xi32>
          %reduce_max3A_330 = arith.xori %reduce_max3A_329, %reduce_max3A_327 : vector<16xi32>
          %reduce_max3A_331 = vector.extract %reduce_max3A_330[15] : i32 from vector<16xi32>
          %add3A_332 = arith.addi %add3A_305, %reduce_max3A_331 : i32
          %mul3A_333 = arith.constant 32 : i32
          %mul3A_334 = arith.muli %scan3A_67, %mul3A_333 : i32
          %add3A_335 = arith.addi %mul3A_334, %scan3A_220 : i32
          %get3A_336 = arith.index_cast %add3A_335 : i32 to index
          %get3A_337 = arith.constant 64 : index
          %get3A_338 = tpu.vector_load %arg10[%get3A_336, %get3A_337] {strides = array<i32>} : memref<256x128xf32, #tpu.memory_space<vmem>>, vector<16xf32>,
          %iota3A_339 = tpu.iota {dimensions = array<i32: 0>} : vector<16xi32>
          %add3A_340 = arith.constant 64 : i32
          %add3A_341 = vector.broadcast %add3A_340 : i32 to vector<16xi32>
          %add3A_342 = arith.addi %add3A_341, %iota3A_339 : vector<16xi32>
          %add3A_343 = arith.addi %mul3A_229, %add3A_342 : vector<16xi32>
          %le3A_344 = vector.broadcast %scan3A_74 : f32 to vector<16xf32>
          %le3A_345 = arith.cmpf ole, %get3A_338, %le3A_344 : vector<16xf32>
          %swap3A_346 = arith.index_cast %add3A_332 : i32 to index
          %swap3A_347 = tpu.vector_load %arg11[%swap3A_346] masked %le3A_345 {strides = array<i32>} : memref<4112xf32, #tpu.memory_space<vmem>>, vector<16xf32>, vector<16xi1>
          tpu.vector_store %arg11[%swap3A_346], %get3A_338 masked %le3A_345 {strides = array<i32>} : memref<4112xf32, #tpu.memory_space<vmem>>, vector<16xf32>, vector<16xi1>
          %swap3A_348 = arith.index_cast %add3A_332 : i32 to index
          %swap3A_349 = tpu.vector_load %arg12[%swap3A_348] masked %le3A_345 {strides = array<i32>} : memref<4112xi32, #tpu.memory_space<vmem>>, vector<16xi32>, vector<16xi1>
          tpu.vector_store %arg12[%swap3A_348], %add3A_343 masked %le3A_345 {strides = array<i32>} : memref<4112xi32, #tpu.memory_space<vmem>>, vector<16xi32>, vector<16xi1>
          %all_reduce_population_count3A_350 = tpu.all_reduce %le3A_345 {dim = 0 : i64, kind = #tpu.reduction_kind<sum>} : vector<16xi1> -> vector<16xi32>
          %reduce_max3A_351 = arith.constant true
          %reduce_max3A_352 = vector.broadcast %reduce_max3A_351 : i1 to vector<16xi1>
          %reduce_max3A_353 = arith.constant -2147483648 : i32
          %reduce_max3A_354 = vector.broadcast %reduce_max3A_353 : i32 to vector<16xi32>
          %reduce_max3A_355 = arith.xori %all_reduce_population_count3A_350, %reduce_max3A_354 : vector<16xi32>
          %reduce_max3A_356 = tpu.scan <max>, %reduce_max3A_355 masked %reduce_max3A_352 : vector<16xi32>, vector<16xi1> -> vector<16xi32>
          %reduce_max3A_357 = arith.xori %reduce_max3A_356, %reduce_max3A_354 : vector<16xi32>
          %reduce_max3A_358 = vector.extract %reduce_max3A_357[15] : i32 from vector<16xi32>
          %add3A_359 = arith.addi %add3A_332, %reduce_max3A_358 : i32
          %mul3A_360 = arith.constant 32 : i32
          %mul3A_361 = arith.muli %scan3A_67, %mul3A_360 : i32
          %add3A_362 = arith.addi %mul3A_361, %scan3A_220 : i32
          %get3A_363 = arith.index_cast %add3A_362 : i32 to index
          %get3A_364 = arith.constant 80 : index
          %get3A_365 = tpu.vector_load %arg10[%get3A_363, %get3A_364] {strides = array<i32>} : memref<256x128xf32, #tpu.memory_space<vmem>>, vector<16xf32>,
          %iota3A_366 = tpu.iota {dimensions = array<i32: 0>} : vector<16xi32>
          %add3A_367 = arith.constant 80 : i32
          %add3A_368 = vector.broadcast %add3A_367 : i32 to vector<16xi32>
          %add3A_369 = arith.addi %add3A_368, %iota3A_366 : vector<16xi32>
          %add3A_370 = arith.addi %mul3A_229, %add3A_369 : vector<16xi32>
          %le3A_371 = vector.broadcast %scan3A_74 : f32 to vector<16xf32>
          %le3A_372 = arith.cmpf ole, %get3A_365, %le3A_371 : vector<16xf32>
          %swap3A_373 = arith.index_cast %add3A_359 : i32 to index
          %swap3A_374 = tpu.vector_load %arg11[%swap3A_373] masked %le3A_372 {strides = array<i32>} : memref<4112xf32, #tpu.memory_space<vmem>>, vector<16xf32>, vector<16xi1>
          tpu.vector_store %arg11[%swap3A_373], %get3A_365 masked %le3A_372 {strides = array<i32>} : memref<4112xf32, #tpu.memory_space<vmem>>, vector<16xf32>, vector<16xi1>
          %swap3A_375 = arith.index_cast %add3A_359 : i32 to index
          %swap3A_376 = tpu.vector_load %arg12[%swap3A_375] masked %le3A_372 {strides = array<i32>} : memref<4112xi32, #tpu.memory_space<vmem>>, vector<16xi32>, vector<16xi1>
          tpu.vector_store %arg12[%swap3A_375], %add3A_370 masked %le3A_372 {strides = array<i32>} : memref<4112xi32, #tpu.memory_space<vmem>>, vector<16xi32>, vector<16xi1>
          %all_reduce_population_count3A_377 = tpu.all_reduce %le3A_372 {dim = 0 : i64, kind = #tpu.reduction_kind<sum>} : vector<16xi1> -> vector<16xi32>
          %reduce_max3A_378 = arith.constant true
          %reduce_max3A_379 = vector.broadcast %reduce_max3A_378 : i1 to vector<16xi1>
          %reduce_max3A_380 = arith.constant -2147483648 : i32
          %reduce_max3A_381 = vector.broadcast %reduce_max3A_380 : i32 to vector<16xi32>
          %reduce_max3A_382 = arith.xori %all_reduce_population_count3A_377, %reduce_max3A_381 : vector<16xi32>
          %reduce_max3A_383 = tpu.scan <max>, %reduce_max3A_382 masked %reduce_max3A_379 : vector<16xi32>, vector<16xi1> -> vector<16xi32>
          %reduce_max3A_384 = arith.xori %reduce_max3A_383, %reduce_max3A_381 : vector<16xi32>
          %reduce_max3A_385 = vector.extract %reduce_max3A_384[15] : i32 from vector<16xi32>
          %add3A_386 = arith.addi %add3A_359, %reduce_max3A_385 : i32
          %mul3A_387 = arith.constant 32 : i32
          %mul3A_388 = arith.muli %scan3A_67, %mul3A_387 : i32
          %add3A_389 = arith.addi %mul3A_388, %scan3A_220 : i32
          %get3A_390 = arith.index_cast %add3A_389 : i32 to index
          %get3A_391 = arith.constant 96 : index
          %get3A_392 = tpu.vector_load %arg10[%get3A_390, %get3A_391] {strides = array<i32>} : memref<256x128xf32, #tpu.memory_space<vmem>>, vector<16xf32>,
          %iota3A_393 = tpu.iota {dimensions = array<i32: 0>} : vector<16xi32>
          %add3A_394 = arith.constant 96 : i32
          %add3A_395 = vector.broadcast %add3A_394 : i32 to vector<16xi32>
          %add3A_396 = arith.addi %add3A_395, %iota3A_393 : vector<16xi32>
          %add3A_397 = arith.addi %mul3A_229, %add3A_396 : vector<16xi32>
          %le3A_398 = vector.broadcast %scan3A_74 : f32 to vector<16xf32>
          %le3A_399 = arith.cmpf ole, %get3A_392, %le3A_398 : vector<16xf32>
          %swap3A_400 = arith.index_cast %add3A_386 : i32 to index
          %swap3A_401 = tpu.vector_load %arg11[%swap3A_400] masked %le3A_399 {strides = array<i32>} : memref<4112xf32, #tpu.memory_space<vmem>>, vector<16xf32>, vector<16xi1>
          tpu.vector_store %arg11[%swap3A_400], %get3A_392 masked %le3A_399 {strides = array<i32>} : memref<4112xf32, #tpu.memory_space<vmem>>, vector<16xf32>, vector<16xi1>
          %swap3A_402 = arith.index_cast %add3A_386 : i32 to index
          %swap3A_403 = tpu.vector_load %arg12[%swap3A_402] masked %le3A_399 {strides = array<i32>} : memref<4112xi32, #tpu.memory_space<vmem>>, vector<16xi32>, vector<16xi1>
          tpu.vector_store %arg12[%swap3A_402], %add3A_397 masked %le3A_399 {strides = array<i32>} : memref<4112xi32, #tpu.memory_space<vmem>>, vector<16xi32>, vector<16xi1>
          %all_reduce_population_count3A_404 = tpu.all_reduce %le3A_399 {dim = 0 : i64, kind = #tpu.reduction_kind<sum>} : vector<16xi1> -> vector<16xi32>
          %reduce_max3A_405 = arith.constant true
          %reduce_max3A_406 = vector.broadcast %reduce_max3A_405 : i1 to vector<16xi1>
          %reduce_max3A_407 = arith.constant -2147483648 : i32
          %reduce_max3A_408 = vector.broadcast %reduce_max3A_407 : i32 to vector<16xi32>
          %reduce_max3A_409 = arith.xori %all_reduce_population_count3A_404, %reduce_max3A_408 : vector<16xi32>
          %reduce_max3A_410 = tpu.scan <max>, %reduce_max3A_409 masked %reduce_max3A_406 : vector<16xi32>, vector<16xi1> -> vector<16xi32>
          %reduce_max3A_411 = arith.xori %reduce_max3A_410, %reduce_max3A_408 : vector<16xi32>
          %reduce_max3A_412 = vector.extract %reduce_max3A_411[15] : i32 from vector<16xi32>
          %add3A_413 = arith.addi %add3A_386, %reduce_max3A_412 : i32
          %mul3A_414 = arith.constant 32 : i32
          %mul3A_415 = arith.muli %scan3A_67, %mul3A_414 : i32
          %add3A_416 = arith.addi %mul3A_415, %scan3A_220 : i32
          %get3A_417 = arith.index_cast %add3A_416 : i32 to index
          %get3A_418 = arith.constant 112 : index
          %get3A_419 = tpu.vector_load %arg10[%get3A_417, %get3A_418] {strides = array<i32>} : memref<256x128xf32, #tpu.memory_space<vmem>>, vector<16xf32>,
          %iota3A_420 = tpu.iota {dimensions = array<i32: 0>} : vector<16xi32>
          %add3A_421 = arith.constant 112 : i32
          %add3A_422 = vector.broadcast %add3A_421 : i32 to vector<16xi32>
          %add3A_423 = arith.addi %add3A_422, %iota3A_420 : vector<16xi32>
          %add3A_424 = arith.addi %mul3A_229, %add3A_423 : vector<16xi32>
          %le3A_425 = vector.broadcast %scan3A_74 : f32 to vector<16xf32>
          %le3A_426 = arith.cmpf ole, %get3A_419, %le3A_425 : vector<16xf32>
          %swap3A_427 = arith.index_cast %add3A_413 : i32 to index
          %swap3A_428 = tpu.vector_load %arg11[%swap3A_427] masked %le3A_426 {strides = array<i32>} : memref<4112xf32, #tpu.memory_space<vmem>>, vector<16xf32>, vector<16xi1>
          tpu.vector_store %arg11[%swap3A_427], %get3A_419 masked %le3A_426 {strides = array<i32>} : memref<4112xf32, #tpu.memory_space<vmem>>, vector<16xf32>, vector<16xi1>
          %swap3A_429 = arith.index_cast %add3A_413 : i32 to index
          %swap3A_430 = tpu.vector_load %arg12[%swap3A_429] masked %le3A_426 {strides = array<i32>} : memref<4112xi32, #tpu.memory_space<vmem>>, vector<16xi32>, vector<16xi1>
          tpu.vector_store %arg12[%swap3A_429], %add3A_424 masked %le3A_426 {strides = array<i32>} : memref<4112xi32, #tpu.memory_space<vmem>>, vector<16xi32>, vector<16xi1>
          %all_reduce_population_count3A_431 = tpu.all_reduce %le3A_426 {dim = 0 : i64, kind = #tpu.reduction_kind<sum>} : vector<16xi1> -> vector<16xi32>
          %reduce_max3A_432 = arith.constant true
          %reduce_max3A_433 = vector.broadcast %reduce_max3A_432 : i1 to vector<16xi1>
          %reduce_max3A_434 = arith.constant -2147483648 : i32
          %reduce_max3A_435 = vector.broadcast %reduce_max3A_434 : i32 to vector<16xi32>
          %reduce_max3A_436 = arith.xori %all_reduce_population_count3A_431, %reduce_max3A_435 : vector<16xi32>
          %reduce_max3A_437 = tpu.scan <max>, %reduce_max3A_436 masked %reduce_max3A_433 : vector<16xi32>, vector<16xi1> -> vector<16xi32>
          %reduce_max3A_438 = arith.xori %reduce_max3A_437, %reduce_max3A_435 : vector<16xi32>
          %reduce_max3A_439 = vector.extract %reduce_max3A_438[15] : i32 from vector<16xi32>
          %add3A_440 = arith.addi %add3A_413, %reduce_max3A_439 : i32
          scf.yield %add3A_440 : i32
        }
        %scan3A_82 = arith.constant 32 : i32
        %broadcast_in_dim3A = arith.constant 3.000000e+38 : f32
        %broadcast_in_dim3A_83 = vector.broadcast %broadcast_in_dim3A : f32 to vector<16xf32>
        %swap3A = arith.index_cast %scan3A_81 : i32 to index
        %swap3A_84 = tpu.vector_load %arg11[%swap3A] {strides = array<i32>} : memref<4112xf32, #tpu.memory_space<vmem>>, vector<16xf32>,
        tpu.vector_store %arg11[%swap3A], %broadcast_in_dim3A_83 {strides = array<i32>} : memref<4112xf32, #tpu.memory_space<vmem>>, vector<16xf32>,
        %broadcast_in_dim3A_85 = arith.constant 2147483647 : i32
        %broadcast_in_dim3A_86 = vector.broadcast %broadcast_in_dim3A_85 : i32 to vector<16xi32>
        %swap3A_87 = arith.index_cast %scan3A_81 : i32 to index
        %swap3A_88 = tpu.vector_load %arg12[%swap3A_87] {strides = array<i32>} : memref<4112xi32, #tpu.memory_space<vmem>>, vector<16xi32>,
        tpu.vector_store %arg12[%swap3A_87], %broadcast_in_dim3A_86 {strides = array<i32>} : memref<4112xi32, #tpu.memory_space<vmem>>, vector<16xi32>,
        %add3A_89 = arith.constant 15 : i32
        %add3A_90 = arith.addi %scan3A_81, %add3A_89 : i32
        %jit3A = arith.constant 16 : i32
        %div3A = arith.divsi %add3A_90, %jit3A : i32
        %sign3A = arith.constant 0 : i32
        %sign3A_91 = arith.cmpi sgt, %add3A_90, %sign3A : i32
        %sign3A_92 = arith.extui %sign3A_91 : i1 to i32
        %sign3A_93 = arith.constant 0 : i32
        %sign3A_94 = arith.cmpi slt, %add3A_90, %sign3A_93 : i32
        %sign3A_95 = arith.extui %sign3A_94 : i1 to i32
        %sign3A_96 = arith.subi %sign3A_92, %sign3A_95 : i32
        %sign3A_97 = arith.constant 0 : i32
        %sign3A_98 = arith.cmpi sgt, %jit3A, %sign3A_97 : i32
        %sign3A_99 = arith.extui %sign3A_98 : i1 to i32
        %sign3A_100 = arith.constant 0 : i32
        %sign3A_101 = arith.cmpi slt, %jit3A, %sign3A_100 : i32
        %sign3A_102 = arith.extui %sign3A_101 : i1 to i32
        %sign3A_103 = arith.subi %sign3A_99, %sign3A_102 : i32
        %ne3A = arith.cmpi ne, %sign3A_96, %sign3A_103 : i32
        %rem3A = arith.remsi %add3A_90, %jit3A : i32
        %ne3A_104 = arith.constant 0 : i32
        %ne3A_105 = arith.cmpi ne, %rem3A, %ne3A_104 : i32
        %and3A = arith.andi %ne3A, %ne3A_105 : i1
        %sub3A = arith.constant 1 : i32
        %sub3A_106 = arith.subi %div3A, %sub3A : i32
        %select_n3A = arith.select %and3A, %sub3A_106, %div3A : i32
        %broadcast_in_dim3A_107 = arith.constant 0.000000e+00 : f32
        %broadcast_in_dim3A_108 = vector.broadcast %broadcast_in_dim3A_107 : f32 to vector<16xf32>
        %broadcast_in_dim3A_109 = arith.constant 0 : i32
        %broadcast_in_dim3A_110 = vector.broadcast %broadcast_in_dim3A_109 : i32 to vector<16xi32>
        %scan3A_111 = arith.constant 0 : i32
        %scan3A_112 = arith.constant 32 : i32
        %scan3A_113 = arith.addi %scan3A_111, %scan3A_112 : i32
        %scan3A_114 = arith.constant 1 : i32
        %scan3A_115:4 = scf.for %scan3A_220 = %scan3A_111 to %scan3A_113 step %scan3A_114 iter_args(%scan3A_221 = %broadcast_in_dim3A_108, %scan3A_222 = %broadcast_in_dim3A_108, %scan3A_223 = %broadcast_in_dim3A_110, %scan3A_224 = %broadcast_in_dim3A_110) -> (vector<16xf32>, vector<16xf32>, vector<16xi32>, vector<16xi32>)  : i32 {
          %broadcast_in_dim3A_225 = arith.constant 3.000000e+38 : f32
          %broadcast_in_dim3A_226 = vector.broadcast %broadcast_in_dim3A_225 : f32 to vector<16xf32>
          %while3A = arith.constant 0 : i32
          %while3A_227 = arith.subi %select_n3A, %while3A : i32
          %while3A_228 = arith.addi %while3A, %while3A_227 : i32
          %while3A_229 = arith.constant 1 : i32
          %while3A_230 = arith.divsi %while3A_227, %while3A_229 : i32
          %while3A_231 = arith.muli %while3A_230, %while3A_229 : i32
          %while3A_232 = arith.addi %while3A, %while3A_231 : i32
          %while3A_233 = arith.constant 1 : i32
          %while3A_234 = scf.for %while3A_312 = %while3A to %while3A_232 step %while3A_233 iter_args(%while3A_313 = %broadcast_in_dim3A_226) -> (vector<16xf32>)  : i32 {
            %mul3A_314 = arith.constant 16 : i32
            %mul3A_315 = arith.muli %while3A_312, %mul3A_314 : i32
            %get3A = arith.index_cast %mul3A_315 : i32 to index
            %get3A_316 = tpu.vector_load %arg11[%get3A] {strides = array<i32>} : memref<4112xf32, #tpu.memory_space<vmem>>, vector<16xf32>,
            %min3A = arith.minimumf %while3A_313, %get3A_316 : vector<16xf32>
            scf.yield %min3A : vector<16xf32>
          }
          %while3A_235 = arith.constant 1 : i32
          %while3A_236 = scf.for %while3A_312 = %while3A_232 to %while3A_228 step %while3A_235 iter_args(%while3A_313 = %while3A_234) -> (vector<16xf32>)  : i32 {
            %mul3A_314 = arith.constant 16 : i32
            %mul3A_315 = arith.muli %while3A_312, %mul3A_314 : i32
            %get3A = arith.index_cast %mul3A_315 : i32 to index
            %get3A_316 = tpu.vector_load %arg11[%get3A] {strides = array<i32>} : memref<4112xf32, #tpu.memory_space<vmem>>, vector<16xf32>,
            %min3A = arith.minimumf %while3A_313, %get3A_316 : vector<16xf32>
            scf.yield %min3A : vector<16xf32>
          }
          %reduce_min3A = arith.constant true
          %reduce_min3A_237 = vector.broadcast %reduce_min3A : i1 to vector<16xi1>
          %reduce_min3A_238 = tpu.scan <min>, %while3A_236 masked %reduce_min3A_237 : vector<16xf32>, vector<16xi1> -> vector<16xf32>
          %reduce_min3A_239 = vector.extract %reduce_min3A_238[15] : f32 from vector<16xf32>
          %broadcast_in_dim3A_240 = arith.constant 2147483647 : i32
          %broadcast_in_dim3A_241 = vector.broadcast %broadcast_in_dim3A_240 : i32 to vector<16xi32>
          %while3A_242 = arith.constant 0 : i32
          %while3A_243 = arith.subi %select_n3A, %while3A_242 : i32
          %while3A_244 = arith.addi %while3A_242, %while3A_243 : i32
          %while3A_245 = arith.constant 1 : i32
          %while3A_246 = arith.divsi %while3A_243, %while3A_245 : i32
          %while3A_247 = arith.muli %while3A_246, %while3A_245 : i32
          %while3A_248 = arith.addi %while3A_242, %while3A_247 : i32
          %while3A_249 = arith.constant 1 : i32
          %while3A_250 = scf.for %while3A_312 = %while3A_242 to %while3A_248 step %while3A_249 iter_args(%while3A_313 = %broadcast_in_dim3A_241) -> (vector<16xi32>)  : i32 {
            %mul3A_314 = arith.constant 16 : i32
            %mul3A_315 = arith.muli %while3A_312, %mul3A_314 : i32
            %get3A = arith.index_cast %mul3A_315 : i32 to index
            %get3A_316 = tpu.vector_load %arg11[%get3A] {strides = array<i32>} : memref<4112xf32, #tpu.memory_space<vmem>>, vector<16xf32>,
            %mul3A_317 = arith.constant 16 : i32
            %mul3A_318 = arith.muli %while3A_312, %mul3A_317 : i32
            %get3A_319 = arith.index_cast %mul3A_318 : i32 to index
            %get3A_320 = tpu.vector_load %arg12[%get3A_319] {strides = array<i32>} : memref<4112xi32, #tpu.memory_space<vmem>>, vector<16xi32>,
            %eq3A_321 = vector.broadcast %reduce_min3A_239 : f32 to vector<16xf32>
            %eq3A_322 = arith.cmpf oeq, %get3A_316, %eq3A_321 : vector<16xf32>
            %jit3A_323 = arith.constant 2147483647 : i32
            %broadcast_in_dim3A_324 = vector.broadcast %jit3A_323 : i32 to vector<16xi32>
            %select_n3A_325 = arith.select %eq3A_322, %get3A_320, %broadcast_in_dim3A_324 : vector<16xi1>, vector<16xi32>
            %min3A = arith.minsi %while3A_313, %select_n3A_325 : vector<16xi32>
            scf.yield %min3A : vector<16xi32>
          }
          %while3A_251 = arith.constant 1 : i32
          %while3A_252 = scf.for %while3A_312 = %while3A_248 to %while3A_244 step %while3A_251 iter_args(%while3A_313 = %while3A_250) -> (vector<16xi32>)  : i32 {
            %mul3A_314 = arith.constant 16 : i32
            %mul3A_315 = arith.muli %while3A_312, %mul3A_314 : i32
            %get3A = arith.index_cast %mul3A_315 : i32 to index
            %get3A_316 = tpu.vector_load %arg11[%get3A] {strides = array<i32>} : memref<4112xf32, #tpu.memory_space<vmem>>, vector<16xf32>,
            %mul3A_317 = arith.constant 16 : i32
            %mul3A_318 = arith.muli %while3A_312, %mul3A_317 : i32
            %get3A_319 = arith.index_cast %mul3A_318 : i32 to index
            %get3A_320 = tpu.vector_load %arg12[%get3A_319] {strides = array<i32>} : memref<4112xi32, #tpu.memory_space<vmem>>, vector<16xi32>,
            %eq3A_321 = vector.broadcast %reduce_min3A_239 : f32 to vector<16xf32>
            %eq3A_322 = arith.cmpf oeq, %get3A_316, %eq3A_321 : vector<16xf32>
            %jit3A_323 = arith.constant 2147483647 : i32
            %broadcast_in_dim3A_324 = vector.broadcast %jit3A_323 : i32 to vector<16xi32>
            %select_n3A_325 = arith.select %eq3A_322, %get3A_320, %broadcast_in_dim3A_324 : vector<16xi1>, vector<16xi32>
            %min3A = arith.minsi %while3A_313, %select_n3A_325 : vector<16xi32>
            scf.yield %min3A : vector<16xi32>
          }
          %reduce_min3A_253 = arith.constant true
          %reduce_min3A_254 = vector.broadcast %reduce_min3A_253 : i1 to vector<16xi1>
          %reduce_min3A_255 = arith.constant -2147483648 : i32
          %reduce_min3A_256 = vector.broadcast %reduce_min3A_255 : i32 to vector<16xi32>
          %reduce_min3A_257 = arith.xori %while3A_252, %reduce_min3A_256 : vector<16xi32>
          %reduce_min3A_258 = tpu.scan <min>, %reduce_min3A_257 masked %reduce_min3A_254 : vector<16xi32>, vector<16xi1> -> vector<16xi32>
          %reduce_min3A_259 = arith.xori %reduce_min3A_258, %reduce_min3A_256 : vector<16xi32>
          %reduce_min3A_260 = vector.extract %reduce_min3A_259[15] : i32 from vector<16xi32>
          %while3A_261 = arith.constant 0 : i32
          %while3A_262 = arith.constant 0 : i32
          %while3A_263 = arith.subi %select_n3A, %while3A_261 : i32
          %while3A_264 = arith.addi %while3A_261, %while3A_263 : i32
          %while3A_265 = arith.constant 1 : i32
          %while3A_266 = arith.divsi %while3A_263, %while3A_265 : i32
          %while3A_267 = arith.muli %while3A_266, %while3A_265 : i32
          %while3A_268 = arith.addi %while3A_261, %while3A_267 : i32
          %while3A_269 = arith.constant 1 : i32
          %while3A_270 = scf.for %while3A_312 = %while3A_261 to %while3A_268 step %while3A_269 iter_args(%while3A_313 = %while3A_262) -> (i32)  : i32 {
            %mul3A_314 = arith.constant 16 : i32
            %mul3A_315 = arith.muli %while3A_312, %mul3A_314 : i32
            %get3A = arith.index_cast %mul3A_315 : i32 to index
            %get3A_316 = tpu.vector_load %arg11[%get3A] {strides = array<i32>} : memref<4112xf32, #tpu.memory_space<vmem>>, vector<16xf32>,
            %mul3A_317 = arith.constant 16 : i32
            %mul3A_318 = arith.muli %while3A_312, %mul3A_317 : i32
            %get3A_319 = arith.index_cast %mul3A_318 : i32 to index
            %get3A_320 = tpu.vector_load %arg12[%get3A_319] {strides = array<i32>} : memref<4112xi32, #tpu.memory_space<vmem>>, vector<16xi32>,
            %eq3A_321 = vector.broadcast %reduce_min3A_239 : f32 to vector<16xf32>
            %eq3A_322 = arith.cmpf oeq, %get3A_316, %eq3A_321 : vector<16xf32>
            %eq3A_323 = vector.broadcast %reduce_min3A_260 : i32 to vector<16xi32>
            %eq3A_324 = arith.cmpi eq, %get3A_320, %eq3A_323 : vector<16xi32>
            %and3A_325 = arith.andi %eq3A_322, %eq3A_324 : vector<16xi1>
            %jit3A_326 = arith.constant 3.000000e+38 : f32
            %broadcast_in_dim3A_327 = vector.broadcast %jit3A_326 : f32 to vector<16xf32>
            %select_n3A_328 = arith.select %and3A_325, %broadcast_in_dim3A_327, %get3A_316 : vector<16xi1>, vector<16xf32>
            %mul3A_329 = arith.constant 16 : i32
            %mul3A_330 = arith.muli %while3A_312, %mul3A_329 : i32
            %swap3A_331 = arith.index_cast %mul3A_330 : i32 to index
            %swap3A_332 = tpu.vector_load %arg11[%swap3A_331] {strides = array<i32>} : memref<4112xf32, #tpu.memory_space<vmem>>, vector<16xf32>,
            tpu.vector_store %arg11[%swap3A_331], %select_n3A_328 {strides = array<i32>} : memref<4112xf32, #tpu.memory_space<vmem>>, vector<16xf32>,
            %while3A_333 = arith.constant 0 : i32
            scf.yield %while3A_333 : i32
          }
          %while3A_271 = arith.constant 1 : i32
          %while3A_272 = scf.for %while3A_312 = %while3A_268 to %while3A_264 step %while3A_271 iter_args(%while3A_313 = %while3A_270) -> (i32)  : i32 {
            %mul3A_314 = arith.constant 16 : i32
            %mul3A_315 = arith.muli %while3A_312, %mul3A_314 : i32
            %get3A = arith.index_cast %mul3A_315 : i32 to index
            %get3A_316 = tpu.vector_load %arg11[%get3A] {strides = array<i32>} : memref<4112xf32, #tpu.memory_space<vmem>>, vector<16xf32>,
            %mul3A_317 = arith.constant 16 : i32
            %mul3A_318 = arith.muli %while3A_312, %mul3A_317 : i32
            %get3A_319 = arith.index_cast %mul3A_318 : i32 to index
            %get3A_320 = tpu.vector_load %arg12[%get3A_319] {strides = array<i32>} : memref<4112xi32, #tpu.memory_space<vmem>>, vector<16xi32>,
            %eq3A_321 = vector.broadcast %reduce_min3A_239 : f32 to vector<16xf32>
            %eq3A_322 = arith.cmpf oeq, %get3A_316, %eq3A_321 : vector<16xf32>
            %eq3A_323 = vector.broadcast %reduce_min3A_260 : i32 to vector<16xi32>
            %eq3A_324 = arith.cmpi eq, %get3A_320, %eq3A_323 : vector<16xi32>
            %and3A_325 = arith.andi %eq3A_322, %eq3A_324 : vector<16xi1>
            %jit3A_326 = arith.constant 3.000000e+38 : f32
            %broadcast_in_dim3A_327 = vector.broadcast %jit3A_326 : f32 to vector<16xf32>
            %select_n3A_328 = arith.select %and3A_325, %broadcast_in_dim3A_327, %get3A_316 : vector<16xi1>, vector<16xf32>
            %mul3A_329 = arith.constant 16 : i32
            %mul3A_330 = arith.muli %while3A_312, %mul3A_329 : i32
            %swap3A_331 = arith.index_cast %mul3A_330 : i32 to index
            %swap3A_332 = tpu.vector_load %arg11[%swap3A_331] {strides = array<i32>} : memref<4112xf32, #tpu.memory_space<vmem>>, vector<16xf32>,
            tpu.vector_store %arg11[%swap3A_331], %select_n3A_328 {strides = array<i32>} : memref<4112xf32, #tpu.memory_space<vmem>>, vector<16xf32>,
            %while3A_333 = arith.constant 0 : i32
            scf.yield %while3A_333 : i32
          }
          %iota3A = tpu.iota {dimensions = array<i32: 0>} : vector<16xi32>
          %jit3A_273 = arith.constant 16 : i32
          %eq3A_274 = arith.constant 0 : i32
          %eq3A_275 = arith.cmpi eq, %jit3A_273, %eq3A_274 : i32
          %jit3A_276 = arith.constant 1 : i32
          %select_n3A_277 = arith.select %eq3A_275, %jit3A_276, %jit3A_273 : i32
          %rem3A_278 = arith.remsi %scan3A_220, %select_n3A_277 : i32
          %ne3A_279 = arith.constant 0 : i32
          %ne3A_280 = arith.cmpi ne, %rem3A_278, %ne3A_279 : i32
          %lt3A_281 = arith.constant 0 : i32
          %lt3A_282 = arith.cmpi slt, %rem3A_278, %lt3A_281 : i32
          %lt3A_283 = arith.constant 0 : i32
          %lt3A_284 = arith.cmpi slt, %select_n3A_277, %lt3A_283 : i32
          %ne3A_285 = arith.xori %lt3A_282, %lt3A_284 : i1
          %and3A_286 = arith.andi %ne3A_285, %ne3A_280 : i1
          %add3A_287 = arith.addi %rem3A_278, %select_n3A_277 : i32
          %select_n3A_288 = arith.select %and3A_286, %add3A_287, %rem3A_278 : i32
          %eq3A_289 = vector.broadcast %select_n3A_288 : i32 to vector<16xi32>
          %eq3A_290 = arith.cmpi eq, %iota3A, %eq3A_289 : vector<16xi32>
          %lt3A_291 = arith.constant 16 : i32
          %lt3A_292 = arith.cmpi slt, %scan3A_220, %lt3A_291 : i32
          %and3A_293 = vector.broadcast %lt3A_292 : i1 to vector<16xi1>
          %and3A_294 = arith.andi %eq3A_290, %and3A_293 : vector<16xi1>
          %broadcast_in_dim3A_295 = vector.broadcast %reduce_min3A_239 : f32 to vector<16xf32>
          %select_n3A_296 = arith.select %and3A_294, %broadcast_in_dim3A_295, %scan3A_221 : vector<16xi1>, vector<16xf32>
          %and3A_297 = vector.broadcast %lt3A_292 : i1 to vector<16xi1>
          %and3A_298 = arith.andi %eq3A_290, %and3A_297 : vector<16xi1>
          %broadcast_in_dim3A_299 = vector.broadcast %reduce_min3A_260 : i32 to vector<16xi32>
          %select_n3A_300 = arith.select %and3A_298, %broadcast_in_dim3A_299, %scan3A_223 : vector<16xi1>, vector<16xi32>
          %not3A = arith.constant true
          %not3A_301 = arith.xori %lt3A_292, %not3A : i1
          %and3A_302 = vector.broadcast %not3A_301 : i1 to vector<16xi1>
          %and3A_303 = arith.andi %eq3A_290, %and3A_302 : vector<16xi1>
          %broadcast_in_dim3A_304 = vector.broadcast %reduce_min3A_239 : f32 to vector<16xf32>
          %select_n3A_305 = arith.select %and3A_303, %broadcast_in_dim3A_304, %scan3A_222 : vector<16xi1>, vector<16xf32>
          %not3A_306 = arith.constant true
          %not3A_307 = arith.xori %lt3A_292, %not3A_306 : i1
          %and3A_308 = vector.broadcast %not3A_307 : i1 to vector<16xi1>
          %and3A_309 = arith.andi %eq3A_290, %and3A_308 : vector<16xi1>
          %broadcast_in_dim3A_310 = vector.broadcast %reduce_min3A_260 : i32 to vector<16xi32>
          %select_n3A_311 = arith.select %and3A_309, %broadcast_in_dim3A_310, %scan3A_224 : vector<16xi1>, vector<16xi32>
          scf.yield %select_n3A_296, %select_n3A_305, %select_n3A_300, %select_n3A_311 : vector<16xf32>, vector<16xf32>, vector<16xi32>, vector<16xi32>
        }
        %scan3A_116 = arith.constant 32 : i32
        %swap3A_117 = arith.index_cast %scan3A_67 : i32 to index
        %swap3A_118 = arith.constant 0 : index
        %swap3A_119 = tpu.vector_load %arg13[%swap3A_117, %swap3A_118] {strides = array<i32>} : memref<8x32xf32, #tpu.memory_space<vmem>>, vector<16xf32>,
        tpu.vector_store %arg13[%swap3A_117, %swap3A_118], %scan3A_115#0 {strides = array<i32>} : memref<8x32xf32, #tpu.memory_space<vmem>>, vector<16xf32>,
        %swap3A_120 = arith.index_cast %scan3A_67 : i32 to index
        %swap3A_121 = arith.constant 16 : index
        %swap3A_122 = tpu.vector_load %arg13[%swap3A_120, %swap3A_121] {strides = array<i32>} : memref<8x32xf32, #tpu.memory_space<vmem>>, vector<16xf32>,
        tpu.vector_store %arg13[%swap3A_120, %swap3A_121], %scan3A_115#1 {strides = array<i32>} : memref<8x32xf32, #tpu.memory_space<vmem>>, vector<16xf32>,
        %swap3A_123 = arith.index_cast %scan3A_67 : i32 to index
        %swap3A_124 = arith.constant 0 : index
        %swap3A_125 = tpu.vector_load %arg14[%swap3A_123, %swap3A_124] {strides = array<i32>} : memref<8x32xi32, #tpu.memory_space<vmem>>, vector<16xi32>,
        tpu.vector_store %arg14[%swap3A_123, %swap3A_124], %scan3A_115#2 {strides = array<i32>} : memref<8x32xi32, #tpu.memory_space<vmem>>, vector<16xi32>,
        %swap3A_126 = arith.index_cast %scan3A_67 : i32 to index
        %swap3A_127 = arith.constant 16 : index
        %swap3A_128 = tpu.vector_load %arg14[%swap3A_126, %swap3A_127] {strides = array<i32>} : memref<8x32xi32, #tpu.memory_space<vmem>>, vector<16xi32>,
        tpu.vector_store %arg14[%swap3A_126, %swap3A_127], %scan3A_115#3 {strides = array<i32>} : memref<8x32xi32, #tpu.memory_space<vmem>>, vector<16xi32>,
        %jit3A_129 = arith.constant 4 : i32
        %div3A_130 = arith.divsi %scan3A_67, %jit3A_129 : i32
        %sign3A_131 = arith.constant 0 : i32
        %sign3A_132 = arith.cmpi sgt, %scan3A_67, %sign3A_131 : i32
        %sign3A_133 = arith.extui %sign3A_132 : i1 to i32
        %sign3A_134 = arith.constant 0 : i32
        %sign3A_135 = arith.cmpi slt, %scan3A_67, %sign3A_134 : i32
        %sign3A_136 = arith.extui %sign3A_135 : i1 to i32
        %sign3A_137 = arith.subi %sign3A_133, %sign3A_136 : i32
        %sign3A_138 = arith.constant 0 : i32
        %sign3A_139 = arith.cmpi sgt, %jit3A_129, %sign3A_138 : i32
        %sign3A_140 = arith.extui %sign3A_139 : i1 to i32
        %sign3A_141 = arith.constant 0 : i32
        %sign3A_142 = arith.cmpi slt, %jit3A_129, %sign3A_141 : i32
        %sign3A_143 = arith.extui %sign3A_142 : i1 to i32
        %sign3A_144 = arith.subi %sign3A_140, %sign3A_143 : i32
        %ne3A_145 = arith.cmpi ne, %sign3A_137, %sign3A_144 : i32
        %rem3A_146 = arith.remsi %scan3A_67, %jit3A_129 : i32
        %ne3A_147 = arith.constant 0 : i32
        %ne3A_148 = arith.cmpi ne, %rem3A_146, %ne3A_147 : i32
        %and3A_149 = arith.andi %ne3A_145, %ne3A_148 : i1
        %sub3A_150 = arith.constant 1 : i32
        %sub3A_151 = arith.subi %div3A_130, %sub3A_150 : i32
        %select_n3A_152 = arith.select %and3A_149, %sub3A_151, %div3A_130 : i32
        %jit3A_153 = arith.constant 4 : i32
        %eq3A = arith.constant 0 : i32
        %eq3A_154 = arith.cmpi eq, %jit3A_153, %eq3A : i32
        %jit3A_155 = arith.constant 1 : i32
        %select_n3A_156 = arith.select %eq3A_154, %jit3A_155, %jit3A_153 : i32
        %rem3A_157 = arith.remsi %scan3A_67, %select_n3A_156 : i32
        %ne3A_158 = arith.constant 0 : i32
        %ne3A_159 = arith.cmpi ne, %rem3A_157, %ne3A_158 : i32
        %lt3A = arith.constant 0 : i32
        %lt3A_160 = arith.cmpi slt, %rem3A_157, %lt3A : i32
        %lt3A_161 = arith.constant 0 : i32
        %lt3A_162 = arith.cmpi slt, %select_n3A_156, %lt3A_161 : i32
        %ne3A_163 = arith.xori %lt3A_160, %lt3A_162 : i1
        %and3A_164 = arith.andi %ne3A_163, %ne3A_159 : i1
        %add3A_165 = arith.addi %rem3A_157, %select_n3A_156 : i32
        %select_n3A_166 = arith.select %and3A_164, %add3A_165, %rem3A_157 : i32
        %mul3A_167 = arith.constant 32 : i32
        %mul3A_168 = arith.muli %select_n3A_166, %mul3A_167 : i32
        %swap3A_169 = arith.index_cast %select_n3A_152 : i32 to index
        %swap3A_170 = arith.index_cast %mul3A_168 : i32 to index
        %swap3A_171 = tpu.vector_load %arg15[%swap3A_169, %swap3A_170] {strides = array<i32>} : memref<2x128xi32, #tpu.memory_space<vmem>>, vector<16xi32>,
        tpu.vector_store %arg15[%swap3A_169, %swap3A_170], %scan3A_115#2 {strides = array<i32>} : memref<2x128xi32, #tpu.memory_space<vmem>>, vector<16xi32>,
        %jit3A_172 = arith.constant 4 : i32
        %div3A_173 = arith.divsi %scan3A_67, %jit3A_172 : i32
        %sign3A_174 = arith.constant 0 : i32
        %sign3A_175 = arith.cmpi sgt, %scan3A_67, %sign3A_174 : i32
        %sign3A_176 = arith.extui %sign3A_175 : i1 to i32
        %sign3A_177 = arith.constant 0 : i32
        %sign3A_178 = arith.cmpi slt, %scan3A_67, %sign3A_177 : i32
        %sign3A_179 = arith.extui %sign3A_178 : i1 to i32
        %sign3A_180 = arith.subi %sign3A_176, %sign3A_179 : i32
        %sign3A_181 = arith.constant 0 : i32
        %sign3A_182 = arith.cmpi sgt, %jit3A_172, %sign3A_181 : i32
        %sign3A_183 = arith.extui %sign3A_182 : i1 to i32
        %sign3A_184 = arith.constant 0 : i32
        %sign3A_185 = arith.cmpi slt, %jit3A_172, %sign3A_184 : i32
        %sign3A_186 = arith.extui %sign3A_185 : i1 to i32
        %sign3A_187 = arith.subi %sign3A_183, %sign3A_186 : i32
        %ne3A_188 = arith.cmpi ne, %sign3A_180, %sign3A_187 : i32
        %rem3A_189 = arith.remsi %scan3A_67, %jit3A_172 : i32
        %ne3A_190 = arith.constant 0 : i32
        %ne3A_191 = arith.cmpi ne, %rem3A_189, %ne3A_190 : i32
        %and3A_192 = arith.andi %ne3A_188, %ne3A_191 : i1
        %sub3A_193 = arith.constant 1 : i32
        %sub3A_194 = arith.subi %div3A_173, %sub3A_193 : i32
        %select_n3A_195 = arith.select %and3A_192, %sub3A_194, %div3A_173 : i32
        %jit3A_196 = arith.constant 4 : i32
        %eq3A_197 = arith.constant 0 : i32
        %eq3A_198 = arith.cmpi eq, %jit3A_196, %eq3A_197 : i32
        %jit3A_199 = arith.constant 1 : i32
        %select_n3A_200 = arith.select %eq3A_198, %jit3A_199, %jit3A_196 : i32
        %rem3A_201 = arith.remsi %scan3A_67, %select_n3A_200 : i32
        %ne3A_202 = arith.constant 0 : i32
        %ne3A_203 = arith.cmpi ne, %rem3A_201, %ne3A_202 : i32
        %lt3A_204 = arith.constant 0 : i32
        %lt3A_205 = arith.cmpi slt, %rem3A_201, %lt3A_204 : i32
        %lt3A_206 = arith.constant 0 : i32
        %lt3A_207 = arith.cmpi slt, %select_n3A_200, %lt3A_206 : i32
        %ne3A_208 = arith.xori %lt3A_205, %lt3A_207 : i1
        %and3A_209 = arith.andi %ne3A_208, %ne3A_203 : i1
        %add3A_210 = arith.addi %rem3A_201, %select_n3A_200 : i32
        %select_n3A_211 = arith.select %and3A_209, %add3A_210, %rem3A_201 : i32
        %mul3A_212 = arith.constant 32 : i32
        %mul3A_213 = arith.muli %select_n3A_211, %mul3A_212 : i32
        %add3A_214 = arith.constant 16 : i32
        %add3A_215 = arith.addi %mul3A_213, %add3A_214 : i32
        %swap3A_216 = arith.index_cast %select_n3A_195 : i32 to index
        %swap3A_217 = arith.index_cast %add3A_215 : i32 to index
        %swap3A_218 = tpu.vector_load %arg15[%swap3A_216, %swap3A_217] {strides = array<i32>} : memref<2x128xi32, #tpu.memory_space<vmem>>, vector<16xi32>,
        tpu.vector_store %arg15[%swap3A_216, %swap3A_217], %scan3A_115#3 {strides = array<i32>} : memref<2x128xi32, #tpu.memory_space<vmem>>, vector<16xi32>,
        %scan3A_219 = arith.constant 0 : i32
        scf.yield %scan3A_219 : i32
      }
      %scan3A_31 = arith.constant 8 : i32
      "tpu.region"() ({
        %run_scoped3A = tpu.sem_alloc : memref<!tpu.dma_semaphore, #tpu.memory_space<semaphore_mem>>
        %dma_start3A_67 = arith.constant 0 : i32
        %dma_start3A_68 = tpu.memref_slice %arg5[%add3A_13, %dma_start3A_67] : memref<1024x32xf32, #tpu.memory_space<hbm>> -> memref<8x32xf32, #tpu.memory_space<hbm>>
        %dma_start3A_69 = arith.constant 0 : i32
        %dma_start3A_70 = tpu.memref_slice %arg5[%add3A_13, %dma_start3A_69] : memref<1024x32xf32, #tpu.memory_space<hbm>> -> memref<8x32xf32, #tpu.memory_space<hbm>>
        tpu.enqueue_dma source(%arg13 : memref<8x32xf32, #tpu.memory_space<vmem>>) target(%dma_start3A_70 : memref<8x32xf32, #tpu.memory_space<hbm>>) target_semaphore(%run_scoped3A : memref<!tpu.dma_semaphore, #tpu.memory_space<semaphore_mem>>)
        %dma_wait3A_71 = arith.constant 0 : i32
        %dma_wait3A_72 = tpu.memref_slice %arg5[%add3A_13, %dma_wait3A_71] : memref<1024x32xf32, #tpu.memory_space<hbm>> -> memref<8x32xf32, #tpu.memory_space<hbm>>
        %dma_wait3A_73 = arith.constant 0 : i32
        %dma_wait3A_74 = tpu.memref_slice %arg5[%add3A_13, %dma_wait3A_73] : memref<1024x32xf32, #tpu.memory_space<hbm>> -> memref<8x32xf32, #tpu.memory_space<hbm>>
        tpu.wait_dma2 semaphore(%run_scoped3A : memref<!tpu.dma_semaphore, #tpu.memory_space<semaphore_mem>>) src(%arg13 : memref<8x32xf32, #tpu.memory_space<vmem>>) dst(%dma_wait3A_74 : memref<8x32xf32, #tpu.memory_space<hbm>>)
        tpu.yield
      }) : () -> ()
      "tpu.region"() ({
        %run_scoped3A = tpu.sem_alloc : memref<!tpu.dma_semaphore, #tpu.memory_space<semaphore_mem>>
        %dma_start3A_67 = arith.constant 0 : i32
        %dma_start3A_68 = tpu.memref_slice %arg6[%add3A_13, %dma_start3A_67] : memref<1024x32xi32, #tpu.memory_space<hbm>> -> memref<8x32xi32, #tpu.memory_space<hbm>>
        %dma_start3A_69 = arith.constant 0 : i32
        %dma_start3A_70 = tpu.memref_slice %arg6[%add3A_13, %dma_start3A_69] : memref<1024x32xi32, #tpu.memory_space<hbm>> -> memref<8x32xi32, #tpu.memory_space<hbm>>
        tpu.enqueue_dma source(%arg14 : memref<8x32xi32, #tpu.memory_space<vmem>>) target(%dma_start3A_70 : memref<8x32xi32, #tpu.memory_space<hbm>>) target_semaphore(%run_scoped3A : memref<!tpu.dma_semaphore, #tpu.memory_space<semaphore_mem>>)
        %dma_wait3A_71 = arith.constant 0 : i32
        %dma_wait3A_72 = tpu.memref_slice %arg6[%add3A_13, %dma_wait3A_71] : memref<1024x32xi32, #tpu.memory_space<hbm>> -> memref<8x32xi32, #tpu.memory_space<hbm>>
        %dma_wait3A_73 = arith.constant 0 : i32
        %dma_wait3A_74 = tpu.memref_slice %arg6[%add3A_13, %dma_wait3A_73] : memref<1024x32xi32, #tpu.memory_space<hbm>> -> memref<8x32xi32, #tpu.memory_space<hbm>>
        tpu.wait_dma2 semaphore(%run_scoped3A : memref<!tpu.dma_semaphore, #tpu.memory_space<semaphore_mem>>) src(%arg14 : memref<8x32xi32, #tpu.memory_space<vmem>>) dst(%dma_wait3A_74 : memref<8x32xi32, #tpu.memory_space<hbm>>)
        tpu.yield
      }) : () -> ()
      %mul3A_32 = arith.constant 32 : i32
      %mul3A_33 = arith.muli %add3A_13, %mul3A_32 : i32
      %dma_start3A_34 = arith.constant 0 : i32
      %dma_start3A_35 = arith.constant 0 : i32
      %dma_start3A_36 = tpu.memref_slice %arg15[%dma_start3A_34, %dma_start3A_35] : memref<2x128xi32, #tpu.memory_space<vmem>> -> memref<1x128xi32, #tpu.memory_space<vmem>>
      %dma_start3A_37 = tpu.memref_squeeze %dma_start3A_36 : memref<1x128xi32, #tpu.memory_space<vmem>> -> memref<128xi32, #tpu.memory_space<vmem>>
      %dma_start3A_38 = arith.constant 0 : i32
      %dma_start3A_39 = arith.constant 0 : i32
      %dma_start3A_40 = tpu.memref_slice %arg4[%dma_start3A_38, %dma_start3A_39] : memref<100000x512xi32, #tpu.memory_space<hbm>> -> memref<100000x512xi32, #tpu.memory_space<hbm>>
      tpu.enqueue_indirect_dma source(%dma_start3A_40 : memref<100000x512xi32, #tpu.memory_space<hbm>>) target(%arg16 : memref<128x512xi32, #tpu.memory_space<vmem>>) offsets(%dma_start3A_37 : memref<128xi32, #tpu.memory_space<vmem>>) semaphore(%arg17 : memref<!tpu.dma_semaphore, #tpu.memory_space<semaphore_mem>>)
      %dma_wait3A_41 = arith.constant 0 : i32
      %dma_wait3A_42 = arith.constant 0 : i32
      %dma_wait3A_43 = tpu.memref_slice %arg15[%dma_wait3A_41, %dma_wait3A_42] : memref<2x128xi32, #tpu.memory_space<vmem>> -> memref<1x128xi32, #tpu.memory_space<vmem>>
      %dma_wait3A_44 = tpu.memref_squeeze %dma_wait3A_43 : memref<1x128xi32, #tpu.memory_space<vmem>> -> memref<128xi32, #tpu.memory_space<vmem>>
      %dma_wait3A_45 = arith.constant 0 : i32
      %dma_wait3A_46 = arith.constant 0 : i32
      %dma_wait3A_47 = tpu.memref_slice %arg4[%dma_wait3A_45, %dma_wait3A_46] : memref<100000x512xi32, #tpu.memory_space<hbm>> -> memref<100000x512xi32, #tpu.memory_space<hbm>>
      tpu.wait_indirect_dma semaphore(%arg17 : memref<!tpu.dma_semaphore, #tpu.memory_space<semaphore_mem>>) src(%dma_wait3A_47 : memref<100000x512xi32, #tpu.memory_space<hbm>>) dst(%arg16 : memref<128x512xi32, #tpu.memory_space<vmem>>)
      %add3A_48 = arith.constant 0 : i32
      %add3A_49 = arith.addi %mul3A_33, %add3A_48 : i32
      "tpu.region"() ({
        %run_scoped3A = tpu.sem_alloc : memref<!tpu.dma_semaphore, #tpu.memory_space<semaphore_mem>>
        %dma_start3A_67 = arith.constant 0 : i32
        %dma_start3A_68 = tpu.memref_slice %arg7[%add3A_49, %dma_start3A_67] : memref<32768x512xi32, #tpu.memory_space<hbm>> -> memref<128x512xi32, #tpu.memory_space<hbm>>
        %dma_start3A_69 = arith.constant 0 : i32
        %dma_start3A_70 = tpu.memref_slice %arg7[%add3A_49, %dma_start3A_69] : memref<32768x512xi32, #tpu.memory_space<hbm>> -> memref<128x512xi32, #tpu.memory_space<hbm>>
        tpu.enqueue_dma source(%arg16 : memref<128x512xi32, #tpu.memory_space<vmem>>) target(%dma_start3A_70 : memref<128x512xi32, #tpu.memory_space<hbm>>) target_semaphore(%run_scoped3A : memref<!tpu.dma_semaphore, #tpu.memory_space<semaphore_mem>>)
        %dma_wait3A_71 = arith.constant 0 : i32
        %dma_wait3A_72 = tpu.memref_slice %arg7[%add3A_49, %dma_wait3A_71] : memref<32768x512xi32, #tpu.memory_space<hbm>> -> memref<128x512xi32, #tpu.memory_space<hbm>>
        %dma_wait3A_73 = arith.constant 0 : i32
        %dma_wait3A_74 = tpu.memref_slice %arg7[%add3A_49, %dma_wait3A_73] : memref<32768x512xi32, #tpu.memory_space<hbm>> -> memref<128x512xi32, #tpu.memory_space<hbm>>
        tpu.wait_dma2 semaphore(%run_scoped3A : memref<!tpu.dma_semaphore, #tpu.memory_space<semaphore_mem>>) src(%arg16 : memref<128x512xi32, #tpu.memory_space<vmem>>) dst(%dma_wait3A_74 : memref<128x512xi32, #tpu.memory_space<hbm>>)
        tpu.yield
      }) : () -> ()
      %dma_start3A_50 = arith.constant 1 : i32
      %dma_start3A_51 = arith.constant 0 : i32
      %dma_start3A_52 = tpu.memref_slice %arg15[%dma_start3A_50, %dma_start3A_51] : memref<2x128xi32, #tpu.memory_space<vmem>> -> memref<1x128xi32, #tpu.memory_space<vmem>>
      %dma_start3A_53 = tpu.memref_squeeze %dma_start3A_52 : memref<1x128xi32, #tpu.memory_space<vmem>> -> memref<128xi32, #tpu.memory_space<vmem>>
      %dma_start3A_54 = arith.constant 0 : i32
      %dma_start3A_55 = arith.constant 0 : i32
      %dma_start3A_56 = tpu.memref_slice %arg4[%dma_start3A_54, %dma_start3A_55] : memref<100000x512xi32, #tpu.memory_space<hbm>> -> memref<100000x512xi32, #tpu.memory_space<hbm>>
      tpu.enqueue_indirect_dma source(%dma_start3A_56 : memref<100000x512xi32, #tpu.memory_space<hbm>>) target(%arg16 : memref<128x512xi32, #tpu.memory_space<vmem>>) offsets(%dma_start3A_53 : memref<128xi32, #tpu.memory_space<vmem>>) semaphore(%arg17 : memref<!tpu.dma_semaphore, #tpu.memory_space<semaphore_mem>>)
      %dma_wait3A_57 = arith.constant 1 : i32
      %dma_wait3A_58 = arith.constant 0 : i32
      %dma_wait3A_59 = tpu.memref_slice %arg15[%dma_wait3A_57, %dma_wait3A_58] : memref<2x128xi32, #tpu.memory_space<vmem>> -> memref<1x128xi32, #tpu.memory_space<vmem>>
      %dma_wait3A_60 = tpu.memref_squeeze %dma_wait3A_59 : memref<1x128xi32, #tpu.memory_space<vmem>> -> memref<128xi32, #tpu.memory_space<vmem>>
      %dma_wait3A_61 = arith.constant 0 : i32
      %dma_wait3A_62 = arith.constant 0 : i32
      %dma_wait3A_63 = tpu.memref_slice %arg4[%dma_wait3A_61, %dma_wait3A_62] : memref<100000x512xi32, #tpu.memory_space<hbm>> -> memref<100000x512xi32, #tpu.memory_space<hbm>>
      tpu.wait_indirect_dma semaphore(%arg17 : memref<!tpu.dma_semaphore, #tpu.memory_space<semaphore_mem>>) src(%dma_wait3A_63 : memref<100000x512xi32, #tpu.memory_space<hbm>>) dst(%arg16 : memref<128x512xi32, #tpu.memory_space<vmem>>)
      %add3A_64 = arith.constant 128 : i32
      %add3A_65 = arith.addi %mul3A_33, %add3A_64 : i32
      "tpu.region"() ({
        %run_scoped3A = tpu.sem_alloc : memref<!tpu.dma_semaphore, #tpu.memory_space<semaphore_mem>>
        %dma_start3A_67 = arith.constant 0 : i32
        %dma_start3A_68 = tpu.memref_slice %arg7[%add3A_65, %dma_start3A_67] : memref<32768x512xi32, #tpu.memory_space<hbm>> -> memref<128x512xi32, #tpu.memory_space<hbm>>
        %dma_start3A_69 = arith.constant 0 : i32
        %dma_start3A_70 = tpu.memref_slice %arg7[%add3A_65, %dma_start3A_69] : memref<32768x512xi32, #tpu.memory_space<hbm>> -> memref<128x512xi32, #tpu.memory_space<hbm>>
        tpu.enqueue_dma source(%arg16 : memref<128x512xi32, #tpu.memory_space<vmem>>) target(%dma_start3A_70 : memref<128x512xi32, #tpu.memory_space<hbm>>) target_semaphore(%run_scoped3A : memref<!tpu.dma_semaphore, #tpu.memory_space<semaphore_mem>>)
        %dma_wait3A_71 = arith.constant 0 : i32
        %dma_wait3A_72 = tpu.memref_slice %arg7[%add3A_65, %dma_wait3A_71] : memref<32768x512xi32, #tpu.memory_space<hbm>> -> memref<128x512xi32, #tpu.memory_space<hbm>>
        %dma_wait3A_73 = arith.constant 0 : i32
        %dma_wait3A_74 = tpu.memref_slice %arg7[%add3A_65, %dma_wait3A_73] : memref<32768x512xi32, #tpu.memory_space<hbm>> -> memref<128x512xi32, #tpu.memory_space<hbm>>
        tpu.wait_dma2 semaphore(%run_scoped3A : memref<!tpu.dma_semaphore, #tpu.memory_space<semaphore_mem>>) src(%arg16 : memref<128x512xi32, #tpu.memory_space<vmem>>) dst(%dma_wait3A_74 : memref<128x512xi32, #tpu.memory_space<hbm>>)
        tpu.yield
      }) : () -> ()
      %scan3A_66 = arith.constant 0 : i32
      scf.yield %scan3A_66 : i32
    }
    %scan3A_8 = arith.constant 4 : i32
    return
  }
}

module attributes {stable_mosaic.version = 14 : i64} {
  func.func @_tc_body(%arg0: i32, %arg1: memref<1024x768xf32, #tpu.memory_space<vmem>>, %arg2: memref<1024x768xf32, #tpu.memory_space<vmem>>, %arg3: memref<1024x1xf32, #tpu.memory_space<vmem>>, %arg4: memref<1x1024xf32, #tpu.memory_space<vmem>>, %arg5: memref<1024x8x128xf32, #tpu.memory_space<vmem>>, %arg6: memref<1024x32xi32, #tpu.memory_space<vmem>>, %arg7: memref<1024x128xf32, #tpu.memory_space<vmem>>, %arg8: memref<1024x896xf32, #tpu.memory_space<vmem>>) attributes {dimension_semantics = [#tpu.dimension_semantics<arbitrary>], iteration_bounds = array<i64: 98>, scalar_prefetch = 0 : i64, scratch_operands = 2 : i64, tpu.core_type = #tpu.core_type<tc>, window_params = [{pipeline_mode = #tpu.pipeline_mode<synchronous>, transform_indices = @transform_0, window_bounds = array<i64: 1024, 768>}, {transform_indices = @transform_1, window_bounds = array<i64: 1024, 768>}, {pipeline_mode = #tpu.pipeline_mode<synchronous>, transform_indices = @transform_2, window_bounds = array<i64: 1024, 1>}, {transform_indices = @transform_3, window_bounds = array<i64: 1, 1024>}, {transform_indices = @transform_4, window_bounds = array<i64: 1024, 8, 128>}, {pipeline_mode = #tpu.pipeline_mode<synchronous>, transform_indices = @transform_5, window_bounds = array<i64: 1024, 32>}]} {
    %get3A = arith.constant 0 : index
    %get3A_0 = arith.constant 0 : index
    %get3A_1 = vector.load %arg1[%get3A, %get3A_0] : memref<1024x768xf32, #tpu.memory_space<vmem>>, vector<1024x768xf32>
    %get3A_2 = arith.constant 0 : index
    %get3A_3 = arith.constant 0 : index
    %get3A_4 = vector.load %arg2[%get3A_2, %get3A_3] : memref<1024x768xf32, #tpu.memory_space<vmem>>, vector<1024x768xf32>
    %convert_element_type3A = arith.truncf %get3A_1 : vector<1024x768xf32> to vector<1024x768xbf16>
    %convert_element_type3A_5 = arith.truncf %get3A_4 : vector<1024x768xf32> to vector<1024x768xbf16>
    %dot_general3A = arith.constant dense<0.000000e+00> : vector<1024x1024xf32>
    %dot_general3A_6 = tpu.matmul %convert_element_type3A, %convert_element_type3A_5, %dot_general3A {dimension_numbers = #tpu.dot_dimension_numbers<[1], [1], [0], [0], [0, 0, 1, 0], [], []>, transpose_lhs_hint = false} : vector<1024x768xbf16>, vector<1024x768xbf16>, vector<1024x1024xf32> -> vector<1024x1024xf32>
    %get3A_7 = arith.constant 0 : index
    %get3A_8 = arith.constant 0 : index
    %get3A_9 = vector.load %arg3[%get3A_7, %get3A_8] : memref<1024x1xf32, #tpu.memory_space<vmem>>, vector<1024x1xf32>
    %get3A_10 = arith.constant 0 : index
    %get3A_11 = arith.constant 0 : index
    %get3A_12 = vector.load %arg4[%get3A_10, %get3A_11] : memref<1x1024xf32, #tpu.memory_space<vmem>>, vector<1x1024xf32>
    %add3A = vector.broadcast %get3A_9 : vector<1024x1xf32> to vector<1024x1024xf32>
    %add3A_13 = vector.broadcast %get3A_12 : vector<1x1024xf32> to vector<1024x1024xf32>
    %add3A_14 = arith.addf %add3A, %add3A_13 : vector<1024x1024xf32>
    %mul3A = arith.constant 2.000000e+00 : f32
    %mul3A_15 = vector.broadcast %mul3A : f32 to vector<1024x1024xf32>
    %mul3A_16 = arith.mulf %mul3A_15, %dot_general3A_6 : vector<1024x1024xf32>
    %sub3A = arith.subf %add3A_14, %mul3A_16 : vector<1024x1024xf32>
    %slice3A = vector.extract_strided_slice %sub3A {offsets = [0, 0], sizes = [1024, 128], strides = [1, 1]} : vector<1024x1024xf32> to vector<1024x128xf32>
    %swap3A = arith.constant 0 : index
    %swap3A_17 = arith.constant 0 : index
    %swap3A_18 = arith.constant 0 : index
    %swap3A_19 = vector.load %arg5[%swap3A, %swap3A_17, %swap3A_18] : memref<1024x8x128xf32, #tpu.memory_space<vmem>>, vector<1024x1x128xf32>
    %swap3A_20 = vector.shape_cast %swap3A_19 : vector<1024x1x128xf32> to vector<1024x128xf32>
    %swap3A_21 = vector.shape_cast %slice3A : vector<1024x128xf32> to vector<1024x1x128xf32>
    tpu.vector_store %arg5[%swap3A, %swap3A_17, %swap3A_18], %swap3A_21 {strides = array<i32>} : memref<1024x8x128xf32, #tpu.memory_space<vmem>>, vector<1024x1x128xf32>,
    %reduce_min3A = arith.constant dense<0x7F800000> : vector<1024xf32>
    %reduce_min3A_22 = vector.multi_reduction <minimumf>, %slice3A, %reduce_min3A [1] : vector<1024x128xf32> to vector<1024xf32>
    %broadcast_in_dim3A = vector.shape_cast %reduce_min3A_22 : vector<1024xf32> to vector<1024x1xf32>
    %slice3A_23 = vector.extract_strided_slice %sub3A {offsets = [0, 128], sizes = [1024, 128], strides = [1, 1]} : vector<1024x1024xf32> to vector<1024x128xf32>
    %swap3A_24 = arith.constant 0 : index
    %swap3A_25 = arith.constant 1 : index
    %swap3A_26 = arith.constant 0 : index
    %swap3A_27 = vector.load %arg5[%swap3A_24, %swap3A_25, %swap3A_26] : memref<1024x8x128xf32, #tpu.memory_space<vmem>>, vector<1024x1x128xf32>
    %swap3A_28 = vector.shape_cast %swap3A_27 : vector<1024x1x128xf32> to vector<1024x128xf32>
    %swap3A_29 = vector.shape_cast %slice3A_23 : vector<1024x128xf32> to vector<1024x1x128xf32>
    tpu.vector_store %arg5[%swap3A_24, %swap3A_25, %swap3A_26], %swap3A_29 {strides = array<i32>} : memref<1024x8x128xf32, #tpu.memory_space<vmem>>, vector<1024x1x128xf32>,
    %reduce_min3A_30 = arith.constant dense<0x7F800000> : vector<1024xf32>
    %reduce_min3A_31 = vector.multi_reduction <minimumf>, %slice3A_23, %reduce_min3A_30 [1] : vector<1024x128xf32> to vector<1024xf32>
    %broadcast_in_dim3A_32 = vector.shape_cast %reduce_min3A_31 : vector<1024xf32> to vector<1024x1xf32>
    %slice3A_33 = vector.extract_strided_slice %sub3A {offsets = [0, 256], sizes = [1024, 128], strides = [1, 1]} : vector<1024x1024xf32> to vector<1024x128xf32>
    %swap3A_34 = arith.constant 0 : index
    %swap3A_35 = arith.constant 2 : index
    %swap3A_36 = arith.constant 0 : index
    %swap3A_37 = vector.load %arg5[%swap3A_34, %swap3A_35, %swap3A_36] : memref<1024x8x128xf32, #tpu.memory_space<vmem>>, vector<1024x1x128xf32>
    %swap3A_38 = vector.shape_cast %swap3A_37 : vector<1024x1x128xf32> to vector<1024x128xf32>
    %swap3A_39 = vector.shape_cast %slice3A_33 : vector<1024x128xf32> to vector<1024x1x128xf32>
    tpu.vector_store %arg5[%swap3A_34, %swap3A_35, %swap3A_36], %swap3A_39 {strides = array<i32>} : memref<1024x8x128xf32, #tpu.memory_space<vmem>>, vector<1024x1x128xf32>,
    %reduce_min3A_40 = arith.constant dense<0x7F800000> : vector<1024xf32>
    %reduce_min3A_41 = vector.multi_reduction <minimumf>, %slice3A_33, %reduce_min3A_40 [1] : vector<1024x128xf32> to vector<1024xf32>
    %broadcast_in_dim3A_42 = vector.shape_cast %reduce_min3A_41 : vector<1024xf32> to vector<1024x1xf32>
    %slice3A_43 = vector.extract_strided_slice %sub3A {offsets = [0, 384], sizes = [1024, 128], strides = [1, 1]} : vector<1024x1024xf32> to vector<1024x128xf32>
    %swap3A_44 = arith.constant 0 : index
    %swap3A_45 = arith.constant 3 : index
    %swap3A_46 = arith.constant 0 : index
    %swap3A_47 = vector.load %arg5[%swap3A_44, %swap3A_45, %swap3A_46] : memref<1024x8x128xf32, #tpu.memory_space<vmem>>, vector<1024x1x128xf32>
    %swap3A_48 = vector.shape_cast %swap3A_47 : vector<1024x1x128xf32> to vector<1024x128xf32>
    %swap3A_49 = vector.shape_cast %slice3A_43 : vector<1024x128xf32> to vector<1024x1x128xf32>
    tpu.vector_store %arg5[%swap3A_44, %swap3A_45, %swap3A_46], %swap3A_49 {strides = array<i32>} : memref<1024x8x128xf32, #tpu.memory_space<vmem>>, vector<1024x1x128xf32>,
    %reduce_min3A_50 = arith.constant dense<0x7F800000> : vector<1024xf32>
    %reduce_min3A_51 = vector.multi_reduction <minimumf>, %slice3A_43, %reduce_min3A_50 [1] : vector<1024x128xf32> to vector<1024xf32>
    %broadcast_in_dim3A_52 = vector.shape_cast %reduce_min3A_51 : vector<1024xf32> to vector<1024x1xf32>
    %slice3A_53 = vector.extract_strided_slice %sub3A {offsets = [0, 512], sizes = [1024, 128], strides = [1, 1]} : vector<1024x1024xf32> to vector<1024x128xf32>
    %swap3A_54 = arith.constant 0 : index
    %swap3A_55 = arith.constant 4 : index
    %swap3A_56 = arith.constant 0 : index
    %swap3A_57 = vector.load %arg5[%swap3A_54, %swap3A_55, %swap3A_56] : memref<1024x8x128xf32, #tpu.memory_space<vmem>>, vector<1024x1x128xf32>
    %swap3A_58 = vector.shape_cast %swap3A_57 : vector<1024x1x128xf32> to vector<1024x128xf32>
    %swap3A_59 = vector.shape_cast %slice3A_53 : vector<1024x128xf32> to vector<1024x1x128xf32>
    tpu.vector_store %arg5[%swap3A_54, %swap3A_55, %swap3A_56], %swap3A_59 {strides = array<i32>} : memref<1024x8x128xf32, #tpu.memory_space<vmem>>, vector<1024x1x128xf32>,
    %reduce_min3A_60 = arith.constant dense<0x7F800000> : vector<1024xf32>
    %reduce_min3A_61 = vector.multi_reduction <minimumf>, %slice3A_53, %reduce_min3A_60 [1] : vector<1024x128xf32> to vector<1024xf32>
    %broadcast_in_dim3A_62 = vector.shape_cast %reduce_min3A_61 : vector<1024xf32> to vector<1024x1xf32>
    %slice3A_63 = vector.extract_strided_slice %sub3A {offsets = [0, 640], sizes = [1024, 128], strides = [1, 1]} : vector<1024x1024xf32> to vector<1024x128xf32>
    %swap3A_64 = arith.constant 0 : index
    %swap3A_65 = arith.constant 5 : index
    %swap3A_66 = arith.constant 0 : index
    %swap3A_67 = vector.load %arg5[%swap3A_64, %swap3A_65, %swap3A_66] : memref<1024x8x128xf32, #tpu.memory_space<vmem>>, vector<1024x1x128xf32>
    %swap3A_68 = vector.shape_cast %swap3A_67 : vector<1024x1x128xf32> to vector<1024x128xf32>
    %swap3A_69 = vector.shape_cast %slice3A_63 : vector<1024x128xf32> to vector<1024x1x128xf32>
    tpu.vector_store %arg5[%swap3A_64, %swap3A_65, %swap3A_66], %swap3A_69 {strides = array<i32>} : memref<1024x8x128xf32, #tpu.memory_space<vmem>>, vector<1024x1x128xf32>,
    %reduce_min3A_70 = arith.constant dense<0x7F800000> : vector<1024xf32>
    %reduce_min3A_71 = vector.multi_reduction <minimumf>, %slice3A_63, %reduce_min3A_70 [1] : vector<1024x128xf32> to vector<1024xf32>
    %broadcast_in_dim3A_72 = vector.shape_cast %reduce_min3A_71 : vector<1024xf32> to vector<1024x1xf32>
    %slice3A_73 = vector.extract_strided_slice %sub3A {offsets = [0, 768], sizes = [1024, 128], strides = [1, 1]} : vector<1024x1024xf32> to vector<1024x128xf32>
    %swap3A_74 = arith.constant 0 : index
    %swap3A_75 = arith.constant 6 : index
    %swap3A_76 = arith.constant 0 : index
    %swap3A_77 = vector.load %arg5[%swap3A_74, %swap3A_75, %swap3A_76] : memref<1024x8x128xf32, #tpu.memory_space<vmem>>, vector<1024x1x128xf32>
    %swap3A_78 = vector.shape_cast %swap3A_77 : vector<1024x1x128xf32> to vector<1024x128xf32>
    %swap3A_79 = vector.shape_cast %slice3A_73 : vector<1024x128xf32> to vector<1024x1x128xf32>
    tpu.vector_store %arg5[%swap3A_74, %swap3A_75, %swap3A_76], %swap3A_79 {strides = array<i32>} : memref<1024x8x128xf32, #tpu.memory_space<vmem>>, vector<1024x1x128xf32>,
    %reduce_min3A_80 = arith.constant dense<0x7F800000> : vector<1024xf32>
    %reduce_min3A_81 = vector.multi_reduction <minimumf>, %slice3A_73, %reduce_min3A_80 [1] : vector<1024x128xf32> to vector<1024xf32>
    %broadcast_in_dim3A_82 = vector.shape_cast %reduce_min3A_81 : vector<1024xf32> to vector<1024x1xf32>
    %slice3A_83 = vector.extract_strided_slice %sub3A {offsets = [0, 896], sizes = [1024, 128], strides = [1, 1]} : vector<1024x1024xf32> to vector<1024x128xf32>
    %swap3A_84 = arith.constant 0 : index
    %swap3A_85 = arith.constant 7 : index
    %swap3A_86 = arith.constant 0 : index
    %swap3A_87 = vector.load %arg5[%swap3A_84, %swap3A_85, %swap3A_86] : memref<1024x8x128xf32, #tpu.memory_space<vmem>>, vector<1024x1x128xf32>
    %swap3A_88 = vector.shape_cast %swap3A_87 : vector<1024x1x128xf32> to vector<1024x128xf32>
    %swap3A_89 = vector.shape_cast %slice3A_83 : vector<1024x128xf32> to vector<1024x1x128xf32>
    tpu.vector_store %arg5[%swap3A_84, %swap3A_85, %swap3A_86], %swap3A_89 {strides = array<i32>} : memref<1024x8x128xf32, #tpu.memory_space<vmem>>, vector<1024x1x128xf32>,
    %reduce_min3A_90 = arith.constant dense<0x7F800000> : vector<1024xf32>
    %reduce_min3A_91 = vector.multi_reduction <minimumf>, %slice3A_83, %reduce_min3A_90 [1] : vector<1024x128xf32> to vector<1024xf32>
    %broadcast_in_dim3A_92 = vector.shape_cast %reduce_min3A_91 : vector<1024xf32> to vector<1024x1xf32>
    %broadcast_in_dim3A_93 = arith.constant 3.000000e+38 : f32
    %broadcast_in_dim3A_94 = vector.broadcast %broadcast_in_dim3A_93 : f32 to vector<1024x120xf32>
    %concatenate3A = tpu.concatenate %broadcast_in_dim3A, %broadcast_in_dim3A_32, %broadcast_in_dim3A_42, %broadcast_in_dim3A_52, %broadcast_in_dim3A_62, %broadcast_in_dim3A_72, %broadcast_in_dim3A_82, %broadcast_in_dim3A_92, %broadcast_in_dim3A_94 in 1 : vector<1024x1xf32>, vector<1024x1xf32>, vector<1024x1xf32>, vector<1024x1xf32>, vector<1024x1xf32>, vector<1024x1xf32>, vector<1024x1xf32>, vector<1024x1xf32>, vector<1024x120xf32> -> vector<1024x128xf32>
    %jit3A = arith.constant 16 : i32
    %eq3A = arith.constant 0 : i32
    %eq3A_95 = arith.cmpi eq, %jit3A, %eq3A : i32
    %jit3A_96 = arith.constant 1 : i32
    %select_n3A = arith.select %eq3A_95, %jit3A_96, %jit3A : i32
    %rem3A = arith.remsi %arg0, %select_n3A : i32
    %ne3A = arith.constant 0 : i32
    %ne3A_97 = arith.cmpi ne, %rem3A, %ne3A : i32
    %lt3A = arith.constant 0 : i32
    %lt3A_98 = arith.cmpi slt, %rem3A, %lt3A : i32
    %lt3A_99 = arith.constant 0 : i32
    %lt3A_100 = arith.cmpi slt, %select_n3A, %lt3A_99 : i32
    %ne3A_101 = arith.xori %lt3A_98, %lt3A_100 : i1
    %and3A = arith.andi %ne3A_101, %ne3A_97 : i1
    %add3A_102 = arith.addi %rem3A, %select_n3A : i32
    %select_n3A_103 = arith.select %and3A, %add3A_102, %rem3A : i32
    %mul3A_104 = arith.constant 8 : i32
    %mul3A_105 = arith.muli %select_n3A_103, %mul3A_104 : i32
    %roll3A = tpu.dynamic_rotate %concatenate3A by %mul3A_105 dim 1 : vector<1024x128xf32>, i32 -> vector<1024x128xf32>
    %jit3A_106 = arith.constant 16 : i32
    %eq3A_107 = arith.constant 0 : i32
    %eq3A_108 = arith.cmpi eq, %jit3A_106, %eq3A_107 : i32
    %jit3A_109 = arith.constant 1 : i32
    %select_n3A_110 = arith.select %eq3A_108, %jit3A_109, %jit3A_106 : i32
    %rem3A_111 = arith.remsi %arg0, %select_n3A_110 : i32
    %ne3A_112 = arith.constant 0 : i32
    %ne3A_113 = arith.cmpi ne, %rem3A_111, %ne3A_112 : i32
    %lt3A_114 = arith.constant 0 : i32
    %lt3A_115 = arith.cmpi slt, %rem3A_111, %lt3A_114 : i32
    %lt3A_116 = arith.constant 0 : i32
    %lt3A_117 = arith.cmpi slt, %select_n3A_110, %lt3A_116 : i32
    %ne3A_118 = arith.xori %lt3A_115, %lt3A_117 : i1
    %and3A_119 = arith.andi %ne3A_118, %ne3A_113 : i1
    %add3A_120 = arith.addi %rem3A_111, %select_n3A_110 : i32
    %select_n3A_121 = arith.select %and3A_119, %add3A_120, %rem3A_111 : i32
    %eq3A_122 = arith.constant 0 : i32
    %eq3A_123 = arith.cmpi eq, %select_n3A_121, %eq3A_122 : i32
    %broadcast_in_dim3A_124 = arith.constant 3.000000e+38 : f32
    %broadcast_in_dim3A_125 = vector.broadcast %broadcast_in_dim3A_124 : f32 to vector<1024x128xf32>
    %get3A_126 = arith.constant 0 : index
    %get3A_127 = arith.constant 0 : index
    %get3A_128 = vector.load %arg7[%get3A_126, %get3A_127] : memref<1024x128xf32, #tpu.memory_space<vmem>>, vector<1024x128xf32>
    %select_n3A_129 = arith.select %eq3A_123, %broadcast_in_dim3A_125, %get3A_128 : vector<1024x128xf32>
    %min3A = arith.minimumf %select_n3A_129, %roll3A : vector<1024x128xf32>
    %swap3A_130 = arith.constant 0 : index
    %swap3A_131 = arith.constant 0 : index
    %swap3A_132 = vector.load %arg7[%swap3A_130, %swap3A_131] : memref<1024x128xf32, #tpu.memory_space<vmem>>, vector<1024x128xf32>
    tpu.vector_store %arg7[%swap3A_130, %swap3A_131], %min3A {strides = array<i32>} : memref<1024x128xf32, #tpu.memory_space<vmem>>, vector<1024x128xf32>,
    %jit3A_133 = arith.constant 16 : i32
    %eq3A_134 = arith.constant 0 : i32
    %eq3A_135 = arith.cmpi eq, %jit3A_133, %eq3A_134 : i32
    %jit3A_136 = arith.constant 1 : i32
    %select_n3A_137 = arith.select %eq3A_135, %jit3A_136, %jit3A_133 : i32
    %rem3A_138 = arith.remsi %arg0, %select_n3A_137 : i32
    %ne3A_139 = arith.constant 0 : i32
    %ne3A_140 = arith.cmpi ne, %rem3A_138, %ne3A_139 : i32
    %lt3A_141 = arith.constant 0 : i32
    %lt3A_142 = arith.cmpi slt, %rem3A_138, %lt3A_141 : i32
    %lt3A_143 = arith.constant 0 : i32
    %lt3A_144 = arith.cmpi slt, %select_n3A_137, %lt3A_143 : i32
    %ne3A_145 = arith.xori %lt3A_142, %lt3A_144 : i1
    %and3A_146 = arith.andi %ne3A_145, %ne3A_140 : i1
    %add3A_147 = arith.addi %rem3A_138, %select_n3A_137 : i32
    %select_n3A_148 = arith.select %and3A_146, %add3A_147, %rem3A_138 : i32
    %eq3A_149 = arith.constant 15 : i32
    %eq3A_150 = arith.cmpi eq, %select_n3A_148, %eq3A_149 : i32
    %eq3A_151 = arith.constant 97 : i32
    %eq3A_152 = arith.cmpi eq, %arg0, %eq3A_151 : i32
    %or3A = arith.ori %eq3A_150, %eq3A_152 : i1
    %convert_element_type3A_153 = arith.extui %or3A : i1 to i32
    %cond3A = arith.constant 0 : i32
    %cond3A_154 = arith.cmpi ne, %convert_element_type3A_153, %cond3A : i32
    scf.if %cond3A_154 {
      %jit3A_160 = arith.constant 16 : i32
      %div3A = arith.divsi %arg0, %jit3A_160 : i32
      %sign3A = arith.constant 0 : i32
      %sign3A_161 = arith.cmpi sgt, %arg0, %sign3A : i32
      %sign3A_162 = arith.extui %sign3A_161 : i1 to i32
      %sign3A_163 = arith.constant 0 : i32
      %sign3A_164 = arith.cmpi slt, %arg0, %sign3A_163 : i32
      %sign3A_165 = arith.extui %sign3A_164 : i1 to i32
      %sign3A_166 = arith.subi %sign3A_162, %sign3A_165 : i32
      %sign3A_167 = arith.constant 0 : i32
      %sign3A_168 = arith.cmpi sgt, %jit3A_160, %sign3A_167 : i32
      %sign3A_169 = arith.extui %sign3A_168 : i1 to i32
      %sign3A_170 = arith.constant 0 : i32
      %sign3A_171 = arith.cmpi slt, %jit3A_160, %sign3A_170 : i32
      %sign3A_172 = arith.extui %sign3A_171 : i1 to i32
      %sign3A_173 = arith.subi %sign3A_169, %sign3A_172 : i32
      %ne3A_174 = arith.cmpi ne, %sign3A_166, %sign3A_173 : i32
      %rem3A_175 = arith.remsi %arg0, %jit3A_160 : i32
      %ne3A_176 = arith.constant 0 : i32
      %ne3A_177 = arith.cmpi ne, %rem3A_175, %ne3A_176 : i32
      %and3A_178 = arith.andi %ne3A_174, %ne3A_177 : i1
      %sub3A_179 = arith.constant 1 : i32
      %sub3A_180 = arith.subi %div3A, %sub3A_179 : i32
      %select_n3A_181 = arith.select %and3A_178, %sub3A_180, %div3A : i32
      %mul3A_182 = arith.constant 128 : i32
      %mul3A_183 = arith.muli %select_n3A_181, %mul3A_182 : i32
      %multiple_of3A = tpu.assume_multiple %mul3A_183, 128 : i32
      %get3A_184 = arith.constant 0 : index
      %get3A_185 = arith.constant 0 : index
      %get3A_186 = vector.load %arg7[%get3A_184, %get3A_185] : memref<1024x128xf32, #tpu.memory_space<vmem>>, vector<1024x128xf32>
      %swap3A_187 = arith.constant 0 : index
      %swap3A_188 = arith.index_cast %multiple_of3A : i32 to index
      %swap3A_189 = vector.load %arg8[%swap3A_187, %swap3A_188] : memref<1024x896xf32, #tpu.memory_space<vmem>>, vector<1024x128xf32>
      tpu.vector_store %arg8[%swap3A_187, %swap3A_188], %get3A_186 {strides = array<i32>} : memref<1024x896xf32, #tpu.memory_space<vmem>>, vector<1024x128xf32>,
    } else {
    }
    %eq3A_155 = arith.constant 97 : i32
    %eq3A_156 = arith.cmpi eq, %arg0, %eq3A_155 : i32
    %convert_element_type3A_157 = arith.extui %eq3A_156 : i1 to i32
    %cond3A_158 = arith.constant 0 : i32
    %cond3A_159 = arith.cmpi ne, %convert_element_type3A_157, %cond3A_158 : i32
    scf.if %cond3A_159 {
      %iota3A = tpu.iota {dimensions = array<i32: 1>} : vector<1024x896xi32>
      %iota3A_160 = tpu.iota {dimensions = array<i32: 1>} : vector<1024x32xi32>
      %broadcast_in_dim3A_161 = arith.constant 0 : i32
      %broadcast_in_dim3A_162 = vector.broadcast %broadcast_in_dim3A_161 : i32 to vector<1024x32xi32>
      %scan3A = arith.constant 0 : i32
      %scan3A_163 = arith.constant 32 : i32
      %scan3A_164 = arith.addi %scan3A, %scan3A_163 : i32
      %scan3A_165 = arith.constant 1 : i32
      %scan3A_166 = scf.for %scan3A_171 = %scan3A to %scan3A_164 step %scan3A_165 iter_args(%scan3A_172 = %broadcast_in_dim3A_162) -> (vector<1024x32xi32>)  : i32 {
        %get3A_173 = arith.constant 0 : index
        %get3A_174 = arith.constant 0 : index
        %get3A_175 = vector.load %arg8[%get3A_173, %get3A_174] : memref<1024x896xf32, #tpu.memory_space<vmem>>, vector<1024x896xf32>
        %reduce_min3A_176 = arith.constant dense<0x7F800000> : vector<1024xf32>
        %reduce_min3A_177 = vector.multi_reduction <minimumf>, %get3A_175, %reduce_min3A_176 [1] : vector<1024x896xf32> to vector<1024xf32>
        %broadcast_in_dim3A_178 = vector.shape_cast %reduce_min3A_177 : vector<1024xf32> to vector<1024x1xf32>
        %eq3A_179 = vector.broadcast %broadcast_in_dim3A_178 : vector<1024x1xf32> to vector<1024x896xf32>
        %eq3A_180 = arith.cmpf oeq, %get3A_175, %eq3A_179 : vector<1024x896xf32>
        %jit3A_181 = arith.constant 896 : i32
        %broadcast_in_dim3A_182 = vector.broadcast %jit3A_181 : i32 to vector<1024x896xi32>
        %select_n3A_183 = arith.select %eq3A_180, %iota3A, %broadcast_in_dim3A_182 : vector<1024x896xi1>, vector<1024x896xi32>
        %reduce_min3A_184 = arith.constant dense<2147483647> : vector<1024xi32>
        %reduce_min3A_185 = vector.multi_reduction <minsi>, %select_n3A_183, %reduce_min3A_184 [1] : vector<1024x896xi32> to vector<1024xi32>
        %broadcast_in_dim3A_186 = vector.shape_cast %reduce_min3A_185 : vector<1024xi32> to vector<1024x1xi32>
        %eq3A_187 = vector.broadcast %scan3A_171 : i32 to vector<1024x32xi32>
        %eq3A_188 = arith.cmpi eq, %iota3A_160, %eq3A_187 : vector<1024x32xi32>
        %broadcast_in_dim3A_189 = vector.shape_cast %broadcast_in_dim3A_186 : vector<1024x1xi32> to vector<1024x1xi32>
        %broadcast_in_dim3A_190 = vector.broadcast %broadcast_in_dim3A_189 : vector<1024x1xi32> to vector<1024x32xi32>
        %select_n3A_191 = arith.select %eq3A_188, %broadcast_in_dim3A_190, %scan3A_172 : vector<1024x32xi1>, vector<1024x32xi32>
        %eq3A_192 = vector.broadcast %broadcast_in_dim3A_186 : vector<1024x1xi32> to vector<1024x896xi32>
        %eq3A_193 = arith.cmpi eq, %iota3A, %eq3A_192 : vector<1024x896xi32>
        %jit3A_194 = arith.constant 3.000000e+38 : f32
        %broadcast_in_dim3A_195 = vector.broadcast %jit3A_194 : f32 to vector<1024x896xf32>
        %select_n3A_196 = arith.select %eq3A_193, %broadcast_in_dim3A_195, %get3A_175 : vector<1024x896xi1>, vector<1024x896xf32>
        %swap3A_197 = arith.constant 0 : index
        %swap3A_198 = arith.constant 0 : index
        %swap3A_199 = vector.load %arg8[%swap3A_197, %swap3A_198] : memref<1024x896xf32, #tpu.memory_space<vmem>>, vector<1024x896xf32>
        tpu.vector_store %arg8[%swap3A_197, %swap3A_198], %select_n3A_196 {strides = array<i32>} : memref<1024x896xf32, #tpu.memory_space<vmem>>, vector<1024x896xf32>,
        scf.yield %select_n3A_191 : vector<1024x32xi32>
      }
      %scan3A_167 = arith.constant 32 : i32
      %swap3A_168 = arith.constant 0 : index
      %swap3A_169 = arith.constant 0 : index
      %swap3A_170 = vector.load %arg6[%swap3A_168, %swap3A_169] : memref<1024x32xi32, #tpu.memory_space<vmem>>, vector<1024x32xi32>
      tpu.vector_store %arg6[%swap3A_168, %swap3A_169], %scan3A_166 {strides = array<i32>} : memref<1024x32xi32, #tpu.memory_space<vmem>>, vector<1024x32xi32>,
    } else {
    }
    return
  }
  func.func @transform_0(%arg0: i32) -> (i32, i32) {
    %c0_i32 = arith.constant 0 : i32
    %c0_i32_0 = arith.constant 0 : i32
    %c0_i32_1 = arith.constant 0 : i32
    return %c0_i32, %c0_i32_0 : i32, i32
  }
  func.func @transform_1(%arg0: i32) -> (i32, i32) {
    %c0_i32 = arith.constant 0 : i32
    %c0_i32_0 = arith.constant 0 : i32
    return %arg0, %c0_i32 : i32, i32
  }
  func.func @transform_2(%arg0: i32) -> (i32, i32) {
    %c0_i32 = arith.constant 0 : i32
    %c0_i32_0 = arith.constant 0 : i32
    %c0_i32_1 = arith.constant 0 : i32
    return %c0_i32, %c0_i32_0 : i32, i32
  }
  func.func @transform_3(%arg0: i32) -> (i32, i32) {
    %c0_i32 = arith.constant 0 : i32
    %c0_i32_0 = arith.constant 0 : i32
    return %c0_i32, %arg0 : i32, i32
  }
  func.func @transform_4(%arg0: i32) -> (i32, i32, i32) {
    %c0_i32 = arith.constant 0 : i32
    %c0_i32_0 = arith.constant 0 : i32
    %c0_i32_1 = arith.constant 0 : i32
    return %c0_i32, %arg0, %c0_i32_0 : i32, i32, i32
  }
  func.func @transform_5(%arg0: i32) -> (i32, i32) {
    %c0_i32 = arith.constant 0 : i32
    %c0_i32_0 = arith.constant 0 : i32
    %c0_i32_1 = arith.constant 0 : i32
    return %c0_i32, %c0_i32_0 : i32, i32
  }
}

</mosaic_0001>

<sc_bundles>
// kernel: kernel.4.cloned.1.call-start
scs
__scs_entry_jumppad:
0x0: {  	(pc) =	sbr.rel $0x88, $3  }
0x1: {  	(tag) =	ssettag $0x0;
	lr =	simm.s32 $0x1  }
0x2: {  	[smem:$0x3F9B] =	sst lr;
	_ =	strace $0xD0000000  }
0x3: {  	_ = 	snop  }
0x4: {  	_ = 	snop  }
0x5: {  	_ = 	snop  }
0x6: {  	_ = 	snop  }
0x7: {  	_ = 	snop  }
__scs_overlays_trampoline_lowered:
0x8: {  	[smem:$0x3FAA] =	sst s0  }
0x9: {  	[smem:$0x3FAB] =	sst s1  }
0xa: {  	[smem:$0x3FAC] =	sst s2  }
0xb: {  	[smem:$0x3FAD] =	sst s3  }
0xc: {  	[smem:$0x3FAE] =	sst s4  }
0xd: {  	[smem:$0x3FAF] =	sst s5  }
0xe: {  	[smem:$0x3FB0] =	sst s6  }
0xf: {  	[smem:$0x3FB1] =	sst s7  }
0x10: {  	[smem:$0x3FB2] =	sst s8  }
0x11: {  	[smem:$0x3FB3] =	sst s9;
	s0 =	simm.s32 @!p0 $0x0  }
0x12: {  	s1 =	sld [smem:$0x3F99];
	s0 =	simm.s32 @p0 $0x1  }
0x13: {  	[smem:$0x3FB4] =	sst s0;
	s0 =	simm.s32 @!p1 $0x0  }
0x14: {  	s2 =	sld [smem:$0x3F98];
	s0 =	simm.s32 @p1 $0x1  }
0x15: {  	[smem:$0x3FB5] =	sst s0;
	s0 =	simm.s32 @!p2 $0x0  }
0x16: {  	s3 =	sld [smem:$0x3FDB];
	s0 =	simm.s32 @p2 $0x1  }
0x17: {  	s4 =	simm.s32 $0x1BF5;
	[smem:$0x3FB7] =	sst s0  }
0x18: {  	s0 =	sld [smem:$0x3F9A];
	_ =	swait.ge [sflag:s4], $0x0  }
0x19: {  	s7 =	sld [smem:$0x3F9B]  }
0x1a: {  	s8 =	sadd.s32 $0xFFFFE003, lr  }
0x1b: {  	s9 =	sadd.s32 $0xFFFFFEF7, lr;
	s5 =	simm.s32 $0xFFFFFFFF;
	p2 =	slt.u32 s8, $0xFFFFF086  }
0x1c: {  	p1 =	slt.u32 s9, $0xF7A;
	s5 =	simm.s32 @!p2 $0x0  }
0x1d: {  	s5 =	simm.s32 @p1 $0x1;
	p0 =	seq.s32 s7, s2  }
0x1e: {  	s7 =	smul.u32 @!p0 $0xF7A, s2;
	p2 =	seq.s32 @!p0 s5, $0x0  }
0x1f: {  	s9 =	smul.u32 $0xF7A, s1;
	s8 =	simm.s32 @!p0 $0x1BF5;
	p2 =	por !p2, p0  }
0x20: {  	[sflag:s8] =	ssyncset.s32 @!p0 $0xFFFFF086;
	s6 =	sadd.s32 @!p0 s3, s7;
	s7 =	simm.s32 @!p0 $0x108  }
0x21: {  	s3 =	sadd.s32 s3, s9;
	s6 =	sadd.s32 @!p0 $0x88, s6;
	s7 =	simm.s32 @p2 $0x1082  }
0x22: {  	[simem:s7], [sflag:s8] =	dma.local @!p0 [hbm:s6], $0xF7A  }
0x23: {  	s9 =	sor.u32 $0xD0000000, s2;
	s6 =	simm.s32 $0x108;
	_ =	swait.ge @!p0 [sflag:s8], $0x0  }
0x24: {  	s3 =	sadd.s32 $0x88, s3;
	s6 =	simm.s32 @!p1 $0x1082;
	[sflag:s4] =	ssyncset.s32 $0xFFFFF086  }
0x25: {  	[simem:s6], [sflag:s4] =	dma.local [hbm:s3], $0xF7A  }
0x26: {  	[smem:$0x3F9B] =	sst s1;
	(tag) =	ssettag s2;
	_ =	strace s9  }
0x27: {  	s1 =	sld [smem:$0x3FAB]  }
0x28: {  	s2 =	sld [smem:$0x3FAC]  }
0x29: {  	s4 =	sld [smem:$0x3FAE]  }
0x2a: {  	p0 =	seq.s32 s5, $0x0;
	s5 =	sld [smem:$0x3FAF]  }
0x2b: {  	s6 =	sld [smem:$0x3FB0]  }
0x2c: {  	s7 =	sld [smem:$0x3FB1]  }
0x2d: {  	s3 =	simm.s32 $0x108;
	s8 =	sld [smem:$0x3FB2]  }
0x2e: {  	s3 =	simm.s32 @!p0 $0x1082;
	s9 =	sld [smem:$0x3FB3]  }
0x2f: {  	lr =	sadd.s32 s0, s3;
	s0 =	sld [smem:$0x3FAA]  }
0x30: {  	s3 =	sld [smem:$0x3FAD]  }
0x31: {  	[smem:$0x3FB6] =	sst s10  }
0x32: {  	s10 =	sld [smem:$0x3FB4];
	_ =	sdelay $0x3  }
0x33: {  	p0 =	seq.s32 s10, $0x1;
	s10 =	sld [smem:$0x3FB6];
	_ =	sdelay $0x3  }
0x34: {  	[smem:$0x3FB6] =	sst s10  }
0x35: {  	s10 =	sld [smem:$0x3FB5];
	_ =	sdelay $0x3  }
0x36: {  	p1 =	seq.s32 s10, $0x1;
	s10 =	sld [smem:$0x3FB6];
	_ =	sdelay $0x3  }
0x37: {  	[smem:$0x3FB6] =	sst s10  }
0x38: {  	s10 =	sld [smem:$0x3FB7]  }
0x39: {  	_ = 	snop;
	(pc) =	sbr.ind lr, $3  }
0x3a: {  	_ = 	snop  }
0x3b: {  	_ = 	snop  }
0x3c: {  	p2 =	seq.s32 s10, $0x1;
	s10 =	sld [smem:$0x3FB6]  }
0x3d: {  	_ =	shalt  }
0x3e: {  	_ =	shalt  }
0x3f: {  	_ =	shalt  }
0x40: {  	_ =	shalt  }
0x41: {  	_ =	shalt  }
0x42: {  	_ =	shalt  }
0x43: {  	_ =	shalt  }
0x44: {  	_ =	shalt  }
0x45: {  	_ =	shalt  }
0x46: {  	_ =	shalt  }
0x47: {  	_ =	shalt  }
0x48: {  	_ =	shalt  }
0x49: {  	_ =	shalt  }
0x4a: {  	_ =	shalt  }
0x4b: {  	_ =	shalt  }
0x4c: {  	_ =	shalt  }
0x4d: {  	_ =	shalt  }
0x4e: {  	_ =	shalt  }
0x4f: {  	_ =	shalt  }
0x50: {  	_ =	shalt  }
0x51: {  	_ =	shalt  }
0x52: {  	_ =	shalt  }
0x53: {  	_ =	shalt  }
0x54: {  	_ =	shalt  }
0x55: {  	_ =	shalt  }
0x56: {  	_ =	shalt  }
0x57: {  	_ =	shalt  }
0x58: {  	_ =	shalt  }
0x59: {  	_ =	shalt  }
0x5a: {  	_ =	shalt  }
0x5b: {  	_ =	shalt  }
0x5c: {  	_ =	shalt  }
0x5d: {  	_ =	shalt  }
0x5e: {  	_ =	shalt  }
0x5f: {  	_ =	shalt  }
0x60: {  	_ =	shalt  }
0x61: {  	_ =	shalt  }
0x62: {  	_ =	shalt  }
0x63: {  	_ =	shalt  }
0x64: {  	_ =	shalt  }
0x65: {  	_ =	shalt  }
0x66: {  	_ =	shalt  }
0x67: {  	_ =	shalt  }
0x68: {  	_ =	shalt  }
0x69: {  	_ =	shalt  }
0x6a: {  	_ =	shalt  }
0x6b: {  	_ =	shalt  }
0x6c: {  	_ =	shalt  }
0x6d: {  	_ =	shalt  }
0x6e: {  	_ =	shalt  }
0x6f: {  	_ =	shalt  }
0x70: {  	_ =	shalt  }
0x71: {  	_ =	shalt  }
0x72: {  	_ =	shalt  }
0x73: {  	_ =	shalt  }
0x74: {  	_ =	shalt  }
0x75: {  	_ =	shalt  }
0x76: {  	_ =	shalt  }
0x77: {  	_ =	shalt  }
0x78: {  	_ =	shalt  }
0x79: {  	_ =	shalt  }
0x7a: {  	_ =	shalt  }
0x7b: {  	_ =	shalt  }
0x7c: {  	_ =	shalt  }
0x7d: {  	_ =	shalt  }
0x7e: {  	_ =	shalt  }
0x7f: {  	_ =	shalt  }
0x80: {  	_ =	shalt  }
0x81: {  	_ =	shalt  }
0x82: {  	_ =	shalt  }
0x83: {  	_ =	shalt  }
0x84: {  	_ =	shalt  }
0x85: {  	_ =	shalt  }
0x86: {  	_ =	shalt  }
0x87: {  	_ =	shalt  }
.Lfunc_end0:
.L_simem_size_0:
called_computation_lowered:
.L_overlay_start_0:
0x88: {  	s2 =	sld [smem:$0x3FD9]  }
0x89: {  	s3 =	sld [smem:$0x3FFE];
	_ =	sdelay $0x1  }
0x8a: {  	s1 =	srdreg.scid  }
0x8b: {  	s0 =	sand.u32 $0x1, s1  }
0x8c: {  	s14 =	sshll.u32 s0, $0xA;
	s2 =	sadd.s32 s3, s2  }
0x8d: {  	s2 =	sadd.s32 s2, s14  }
0x8e: {  	[smem:$0x3FC2] =	sst s2  }
0x8f: {  	_ = 	snop  }
0x90: {  	s2 =	sld [smem:$0x3FD0];
	_ =	sdelay $0x2  }
0x91: {  	s15 =	simm.s32 $0xA;
	s4 =	simm.s32 $0x10  }
0x92: {  	[smem:s4], [sflag:s15] =	dma.local [hbm:s2], $0x1  }
0x93: {  	_ =	swait.eq [sflag:s15], $0x1  }
0x94: {  	[sflag:s15] =	ssyncset.done $0x0  }
0x95: {  	s16 =	sld [smem:$0x11];
	[sflag:s15] =	ssyncadd.s32 $0xFFFFFFFF  }
0x96: {  	s17 =	sld [smem:$0x12];
	(tm) =	ssettm $0x1  }
0x97: {  	s18 =	sld [smem:$0x3FFB];
	_ =	sdelay $0x3  }
0x98: {  	_ =	strace s18  }
0x99: {  	s4 =	sld [smem:$0x3FFC];
	_ =	sdelay $0x3  }
0x9a: {  	_ =	strace s4  }
0x9b: {  	s4 =	sld [smem:$0x3FFD];
	_ =	sdelay $0x3  }
0x9c: {  	_ =	strace s4  }
0x9d: {  	_ =	strace $0x8FFFFFFF  }
0x9e: {  	s19 =	sld [smem:$0x3FDB];
	_ =	sdelay $0x1  }
0x9f: {  	s5 =	simm.s32 $_scs_section_size  }
0xa0: {  	s6 =	simm.s32 $_size__tile_overlayer_lowered;
	s7 =	simm.s32 $_tile_overlayer_lowered  }
0xa1: {  	s22 =	simm.s32 $0x1BFF;
	s21 =	sshll.u32 s7, $0x1;
	s4 =	sadd.s32 s5, s19  }
0xa2: {  	s8 =	simm.s32 $0x0;
	s20 =	sshll.u32 s6, $0x1;
	s6 =	sadd.s32 s21, s4  }
0xa3: {  	[timem:s8], [sflag:s22] =	dma.local [hbm:s6], s20  }
0xa4: {  	_ =	swait.ge [sflag:s22], s20  }
0xa5: {  	s5 =	ssub.s32 $0x0, s20;
	[sflag:s22] =	ssyncset.done $0x0  }
0xa6: {  	[sflag:s22] =	ssyncadd.s32 s5;
	_ =	sdelay $0x1  }
0xa7: {  	s23 =	simm.s32 $0x1B8B  }
0xa8: {  	_ =	swait.ge [sflag:s23], $0x1  }
0xa9: {  	[sflag:s23] =	ssyncset.done $0x0  }
0xaa: {  	s25 =	simm.s32 $0x1B8E;
	s24 =	sld [smem:$0x3FFE];
	[sflag:s23] =	ssyncadd.s32 $0xFFFFFFFF  }
0xab: {  	s26 =	simm.s32 $execute0_lowered;
	[smem:$0x3FD2] =	sst s25  }
0xac: {  	s6 =	sshll.u32 s26, $0x1;
	_ =	strace $0x80000046;
	[dreg:$0x1] =	wrdreg $0xFFFFFFFF  }
0xad: {  	s28 =	simm.s32 $_size_execute0_lowered;
	s4 =	sadd.s32 s4, s6;
	[dreg:$0x0] =	wrdreg $0x0  }
0xae: {  	s6 =	sshll.u32 s28, $0x1;
	[dreg:$0x2] =	wrdreg s4  }
0xaf: {  	[dreg:$0x3] =	wrdreg s6  }
0xb0: {  	[dreg:$0x4] =	wrdreg $0xC0  }
0xb1: {  	_ =	task [dreg:s8], $0x5FFFF  }
0xb2: {  	[dreg:$0x1] =	wrdreg $0xFFFFFFFF  }
0xb3: {  	[dreg:$0x0] =	wrdreg $0x60  }
0xb4: {  	[dreg:$0x2] =	wrdreg s24  }
0xb5: {  	[dreg:$0x3] =	wrdreg s17  }
0xb6: {  	[dreg:$0x4] =	wrdreg s16  }
0xb7: {  	[dreg:$0x5] =	wrdreg $0x9  }
0xb8: {  	_ =	task.clear_ibuf [dreg:s8], $0x6FFFF;
	_ =	strace $0x90000046  }
0xb9: {  	s29 =	simm.s32 $0x9;
	_ =	strace $0x80000048  }
0xba: {  	_ =	swait.ge [sflag:s29], $0x1  }
0xbb: {  	[sflag:s29] =	ssyncadd.s32 $0xFFFFFFFF  }
0xbc: {  	_ =	strace $0x90000048  }
0xbd: {  	_ =	sfence  }
0xbe: {  	s30 =	sld [smem:$0x0];
	_ =	sdelay $0x2  }
0xbf: {  	s31 =	sshll.u32 s1, $0xD;
	s1 =	sshrl.u32 s1, $0x2  }
0xc0: {  	s3 =	sand.u32 $0x4000, s31;
	s1 =	sadd.s32 s1, s30  }
0xc1: {  	s0 =	sor.u32 s3, s0;
	s1 =	sshll.u32 s1, $0x11  }
0xc2: {  	s0 =	sor.u32 s1, s0  }
0xc3: {  	s0 =	sadd.s32 $0x8F2B, s0  }
0xc4: {  	[sflag:s0] =	ssyncadd.remote.s32 $0x1  }
0xc5: {  	_ =	sfence.sel $0xFFFF  }
0xc6: {  	[dreg:$0x0] =	wrdreg $0xFFFFFFFF;
	(pc) =	sbr.abs _section_cstart, $3  }
0xc7: {  	[dreg:$0x1] =	wrdreg $0xFFFFFFFF  }
0xc8: {  	_ =	task.clear_ibuf [dreg:s8], $0x2FFFF;
	_ =	strace $0x9FFFFFFF  }
0xc9: {  	(tm) =	ssettm $0x7FFFFFFF  }
tec
execute0_lowered:
.L_overlay_start_1:
0x0: {  	(tag) =	ssettag $0x1  }
0x1: {  	s0 =	rddreg [dreg:$0x0];
	s2 =	simm.s32 $0x0  }
0x2: {  	[smem:$0x7FF] =	sst s2  }
0x3: {  	s1 =	rddreg [dreg:$0x1];
	v0 =	vimm.f32 $3.000000010e+38;
	_ =	strace $0x80000047  }
0x4: {  	v1 =	vimm.s32 $0xFFFFFFFF;
	(xrf0) =	vmin.scan.msk.f32 $0xffff, v0  }
0x5: {  	(xrf0) =	vmin.scan.msk.u32 $0xffff, v1;
	_ =	sdelay $0x4  }
0x6: {  	v1, _, _ =	vpop (xrf0)  }
0x7: {  	v2, _, _ =	vpop (xrf0)  }
0x8: {  	(v2sf) =	vpush v2, $0xF  }
0x9: {  	s21 =	srdreg.scid  }
0xa: {  	s9 =	stileid.u32;
	s31 =	simm.s32 $0x2;
	s20 =	simm.s32 $0x10300  }
0xb: {  	s11 =	simm.s32 $0x12B00;
	s28 =	simm.s32 $0x15B00;
	s29 =	simm.s32 $0x16B00  }
0xc: {  	s18 =	simm.s32 $0x17300;
	s14 =	simm.s32 $0x1;
	s3 =	sadd.s32 $0x1258400, s0  }
0xd: {  	s5 =	sadd.s32 $0xAAEE00, s0;
	s4 =	sadd.s32 $0x10C9600, s0;
	[dreg:$0x4] =	wrdreg s3  }
0xe: {  	s6 =	sshll.u32 s9, $0x6;
	s8 =	sadd.s32 $0x800, s0;
	[dreg:$0x5] =	wrdreg s4  }
0xf: {  	s10 =	sadd.s32 $0xAAEF00, s0;
	s0 =	sadd.s32 $0x2800, s0;
	[dreg:$0x6] =	wrdreg s8  }
0x10: {  	s24 =	smul.u32 $0xC400, s9;
	s3 =	sand.u32 $0x1, s21;
	[dreg:$0x9] =	wrdreg s0  }
0x11: {  	s8 =	simm.s32 $0x12300;
	s21 =	simm.s32 $0x16300;
	s22 =	ssub.s32 $0x2, s3  }
0x12: {  	s7 =	sshll.u32 s3, $0x5;
	s25 =	smul.u32 $0x6200, s3;
	s23 =	sshrl.u32 s22, $0x1  }
0x13: {  	s6 =	sor.u32 s7, s6;
	s7 =	simm.s32 $0x11B00;
	s4 =	ssub.s32 s22, s23  }
0x14: {  	v11 =	vimm.s32 $0x7FFFFFFF;
	vm0 =	vmxor vm0, vm0;
	[dreg:$0x7] =	wrdreg s6;
	s6 =	sshll.u32 s6, $0x4;
	s22 =	simm.s32 $0x13300  }
.Ltmp0:
0x15: {  	vm1 =	vmmov $0xffff;
	s23 =	simm.s32 $0x13B00;
	s1 =	sadd.s32 s1, s6;
	v1 =	vbroadcast v1, $0xF;
	v2 =	vlaneseq.u32;
	(pc) =	sbr.rel .LBB2_1-.Ltmp0, $4  }
0x16: {  	s26 =	smax.u32 s4, $0x1;
	s6 =	simm.s32 $0x11300;
	[dreg:$0x8] =	wrdreg s1;
	v3 =	vor.u32 $0x10, v2;
	v4 =	vor.u32 $0x20, v2;
	v5 =	vor.u32 $0x30, v2  }
0x17: {  	[dreg:$0xa] =	wrdreg s26;
	s1 =	sadd.s32 s25, s24;
	v6 =	vor.u32 $0x40, v2;
	v7 =	vor.u32 $0x50, v2;
	v8 =	vor.u32 $0x60, v2;
	s30 =	spop (v2sf)  }
0x18: {  	s24 =	simm.s32 $0x14300;
	s25 =	simm.s32 $0x14B00;
	v10 =	vor.u32 $0x70, v2;
	v12 =	vand.u32 $0x7, v2;
	v13 =	vshrl.u32 v2, $0x3;
	s0 =	sxor.u32 $0x80000000, s30  }
0x19: {  	s26 =	simm.s32 $0x15300;
	[dreg:$0xb] =	wrdreg s1;
	s1 =	simm.s32 $0x0;
	v14 =	vor.u32 $0x8, v2;
	v13 =	vmul.u32 $0x8, v13;
	v9 =	vmov s0  }
.LBB2_21:
0x1a: {  	s1 =	rddreg [dreg:$0xc]  }
0x1b: {  	s0 =	rddreg [dreg:$0xa];
	s1 =	sadd.s32 $0x1, s1  }
0x1c: {  	p0 =	sne.s32 s1, s0  }
.Ltmp1:
0x1d: {  	_ = 	snop;
	(pc) =	sbr.rel @!p0 .LBB2_22-.Ltmp1, $1  }
0x1e: {  	_ =	sdelay $0x3  }
.LBB2_1:
0x1f: {  	[dreg:$0xc] =	wrdreg s1  }
.Ltmp2:
0x20: {  	s0 =	rddreg [dreg:$0x8];
	s19 =	simm.s32 $0x2;
	(pc) =	sbr.rel .LBB2_2-.Ltmp2, $4  }
0x21: {  	[tilespmem:s2], [sflag:$0x2] =	stream.linear.gather [hbm4b:s0+s2], $0x1000, $0x38;
	[tilespmem:$0x1BB00] =	vst v63  }
0x22: {  	_ =	swait.ge [sflag:s19], $0x1000  }
0x23: {  	s4 =	simm.s32 $0x10;
	[sflag:s19] =	ssyncset.done $0x0  }
0x24: {  	s3 =	simm.s32 $0x0;
	s30 =	rddreg [dreg:$0xb];
	[sflag:s19] =	ssyncadd.s32 $0xFFFFF000  }
.LBB2_20:
0x25: {  	s1 =	sshll.u32 s0, $0x4;
	s3 =	rddreg [dreg:$0x2]  }
0x26: {  	s9 =	simm.s32 $0xB200;
	s3 =	sadd.s32 s3, s1  }
0x27: {  	[hbm4b:s3+s2] =	stream.linear.scatter [tilespmem:s9], [sflag:$0x2], $0x400, $0x38;
	[tilespmem:$0x1BB00] =	vst v63  }
0x28: {  	_ =	swait.ge [sflag:s31], $0x400  }
0x29: {  	[sflag:s31] =	ssyncset.done $0x0;
	s15 =	rddreg [dreg:$0x5]  }
0x2a: {  	s16 =	simm.s32 $0xB600;
	[sflag:s31] =	ssyncadd.s32 $0xFFFFFC00;
	s1 =	sadd.s32 s15, s1  }
0x2b: {  	[hbm4b:s1+s2] =	stream.linear.scatter [tilespmem:s16], [sflag:$0x2], $0x400, $0x38;
	[tilespmem:$0x1BB00] =	vst v63  }
0x2c: {  	_ =	swait.ge [sflag:s31], $0x400  }
0x2d: {  	[sflag:s31] =	ssyncset.done $0x0  }
0x2e: {  	[sflag:s31] =	ssyncadd.s32 $0xFFFFFC00  }
0x2f: {  	v15 =	vld [tilespmem:$0xBA00];
	_ =	sdelay $0x4  }
0x30: {  	v16 =	vshll.u32 v15, $0x2  }
0x31: {  	v15 =	vand.u32 $0x7, v15;
	v16 =	vand.u32 $0xFFFFFFE0, v16  }
0x32: {  	v15 =	vor.u32 v15, v16  }
0x33: {  	v16 =	vperm.xlane v15, v12;
	_ =	sdelay $0x1  }
0x34: {  	v16 =	vadd.s32 v13, v16;
	_ =	sdelay $0x1  }
0x35: {  	v15 =	vperm.xlane v15, v14;
	_ =	sdelay $0x1  }
0x36: {  	s17 =	simm.s32 $0xBB00;
	v15 =	vadd.s32 v13, v15  }
0x37: {  	[tilespmem:s17], [sflag:$0x1] =	stream.indirect_vreg.gather [hbm4b:s5+s2], $0x80, v16, vm1, $0xb8;
	[tilespmem:$0x1BB00] =	vst v63  }
0x38: {  	s19 =	simm.s32 $0xC300  }
0x39: {  	[tilespmem:s19], [sflag:$0x1] =	stream.indirect_vreg.gather [hbm4b:s10+s2], $0x80, v16, vm1, $0xb8;
	[tilespmem:$0x1BB00] =	vst v63  }
0x3a: {  	s9 =	simm.s32 $0xCB00  }
0x3b: {  	[tilespmem:s9], [sflag:$0x1] =	stream.indirect_vreg.gather [hbm4b:s5+s2], $0x80, v15, vm1, $0xb8;
	[tilespmem:$0x1BB00] =	vst v63  }
0x3c: {  	s12 =	simm.s32 $0xD300  }
0x3d: {  	[tilespmem:s12], [sflag:$0x1] =	stream.indirect_vreg.gather [hbm4b:s10+s2], $0x80, v15, vm1, $0xb8;
	[tilespmem:$0x1BB00] =	vst v63  }
0x3e: {  	v15 =	vld [tilespmem:$0xBA10];
	_ =	sdelay $0x4  }
0x3f: {  	v49 =	vshll.u32 v15, $0x2  }
0x40: {  	v15 =	vand.u32 $0x7, v15;
	v16 =	vand.u32 $0xFFFFFFE0, v49  }
0x41: {  	v15 =	vor.u32 v15, v16  }
0x42: {  	v16 =	vperm.xlane v15, v12;
	_ =	sdelay $0x1  }
0x43: {  	v16 =	vadd.s32 v13, v16;
	_ =	sdelay $0x1  }
0x44: {  	v15 =	vperm.xlane v15, v14;
	_ =	sdelay $0x1  }
0x45: {  	s13 =	simm.s32 $0xDB00;
	v15 =	vadd.s32 v13, v15  }
0x46: {  	[tilespmem:s13], [sflag:$0x1] =	stream.indirect_vreg.gather [hbm4b:s5+s2], $0x80, v16, vm1, $0xb8;
	[tilespmem:$0x1BB00] =	vst v63  }
0x47: {  	s15 =	simm.s32 $0xE300  }
0x48: {  	[tilespmem:s15], [sflag:$0x1] =	stream.indirect_vreg.gather [hbm4b:s10+s2], $0x80, v16, vm1, $0xb8;
	[tilespmem:$0x1BB00] =	vst v63  }
0x49: {  	s16 =	simm.s32 $0xEB00  }
0x4a: {  	[tilespmem:s16], [sflag:$0x1] =	stream.indirect_vreg.gather [hbm4b:s5+s2], $0x80, v15, vm1, $0xb8;
	[tilespmem:$0x1BB00] =	vst v63  }
0x4b: {  	s17 =	simm.s32 $0xF300  }
0x4c: {  	[tilespmem:s17], [sflag:$0x1] =	stream.indirect_vreg.gather [hbm4b:s10+s2], $0x80, v15, vm1, $0xb8;
	[tilespmem:$0x1BB00] =	vst v63  }
0x4d: {  	v15 =	vld [tilespmem:$0xBA20];
	_ =	sdelay $0x4  }
0x4e: {  	v50 =	vshll.u32 v15, $0x2  }
0x4f: {  	v15 =	vand.u32 $0x7, v15;
	v16 =	vand.u32 $0xFFFFFFE0, v50  }
0x50: {  	v15 =	vor.u32 v15, v16  }
0x51: {  	v16 =	vperm.xlane v15, v12;
	_ =	sdelay $0x1  }
0x52: {  	v16 =	vadd.s32 v13, v16;
	_ =	sdelay $0x1  }
0x53: {  	v15 =	vperm.xlane v15, v14;
	_ =	sdelay $0x1  }
0x54: {  	s19 =	simm.s32 $0xFB00;
	v15 =	vadd.s32 v13, v15  }
0x55: {  	[tilespmem:s19], [sflag:$0x1] =	stream.indirect_vreg.gather [hbm4b:s5+s2], $0x80, v16, vm1, $0xb8;
	[tilespmem:$0x1BB00] =	vst v63  }
0x56: {  	_ = 	snop  }
0x57: {  	[tilespmem:s20], [sflag:$0x1] =	stream.indirect_vreg.gather [hbm4b:s10+s2], $0x80, v16, vm1, $0xb8;
	[tilespmem:$0x1BB00] =	vst v63  }
0x58: {  	s4 =	simm.s32 $0x10B00  }
0x59: {  	[tilespmem:s4], [sflag:$0x1] =	stream.indirect_vreg.gather [hbm4b:s5+s2], $0x80, v15, vm1, $0xb8;
	[tilespmem:$0x1BB00] =	vst v63  }
0x5a: {  	_ = 	snop  }
0x5b: {  	[tilespmem:s6], [sflag:$0x1] =	stream.indirect_vreg.gather [hbm4b:s10+s2], $0x80, v15, vm1, $0xb8;
	[tilespmem:$0x1BB00] =	vst v63  }
0x5c: {  	v15 =	vld [tilespmem:$0xBA30];
	_ =	sdelay $0x4  }
0x5d: {  	v51 =	vshll.u32 v15, $0x2  }
0x5e: {  	v15 =	vand.u32 $0x7, v15;
	v16 =	vand.u32 $0xFFFFFFE0, v51  }
0x5f: {  	v15 =	vor.u32 v15, v16  }
0x60: {  	v16 =	vperm.xlane v15, v12;
	_ =	sdelay $0x1  }
0x61: {  	v16 =	vadd.s32 v13, v16;
	_ =	sdelay $0x1  }
0x62: {  	v15 =	vperm.xlane v15, v14;
	_ =	sdelay $0x1  }
0x63: {  	v15 =	vadd.s32 v13, v15  }
0x64: {  	[tilespmem:s7], [sflag:$0x1] =	stream.indirect_vreg.gather [hbm4b:s5+s2], $0x80, v16, vm1, $0xb8;
	[tilespmem:$0x1BB00] =	vst v63  }
0x65: {  	_ = 	snop  }
0x66: {  	[tilespmem:s8], [sflag:$0x1] =	stream.indirect_vreg.gather [hbm4b:s10+s2], $0x80, v16, vm1, $0xb8;
	[tilespmem:$0x1BB00] =	vst v63  }
0x67: {  	_ = 	snop  }
0x68: {  	[tilespmem:s11], [sflag:$0x1] =	stream.indirect_vreg.gather [hbm4b:s5+s2], $0x80, v15, vm1, $0xb8;
	[tilespmem:$0x1BB00] =	vst v63  }
0x69: {  	_ = 	snop  }
0x6a: {  	[tilespmem:s22], [sflag:$0x1] =	stream.indirect_vreg.gather [hbm4b:s10+s2], $0x80, v15, vm1, $0xb8;
	[tilespmem:$0x1BB00] =	vst v63  }
0x6b: {  	v15 =	vld [tilespmem:$0xBA40];
	_ =	sdelay $0x4  }
0x6c: {  	v52 =	vshll.u32 v15, $0x2  }
0x6d: {  	v15 =	vand.u32 $0x7, v15;
	v16 =	vand.u32 $0xFFFFFFE0, v52  }
0x6e: {  	v15 =	vor.u32 v15, v16  }
0x6f: {  	v16 =	vperm.xlane v15, v12;
	_ =	sdelay $0x1  }
0x70: {  	v16 =	vadd.s32 v13, v16;
	_ =	sdelay $0x1  }
0x71: {  	v15 =	vperm.xlane v15, v14;
	_ =	sdelay $0x1  }
0x72: {  	v15 =	vadd.s32 v13, v15  }
0x73: {  	[tilespmem:s23], [sflag:$0x1] =	stream.indirect_vreg.gather [hbm4b:s5+s2], $0x80, v16, vm1, $0xb8;
	[tilespmem:$0x1BB00] =	vst v63  }
0x74: {  	_ = 	snop  }
0x75: {  	[tilespmem:s24], [sflag:$0x1] =	stream.indirect_vreg.gather [hbm4b:s10+s2], $0x80, v16, vm1, $0xb8;
	[tilespmem:$0x1BB00] =	vst v63  }
0x76: {  	_ = 	snop  }
0x77: {  	[tilespmem:s25], [sflag:$0x1] =	stream.indirect_vreg.gather [hbm4b:s5+s2], $0x80, v15, vm1, $0xb8;
	[tilespmem:$0x1BB00] =	vst v63  }
0x78: {  	_ = 	snop  }
0x79: {  	[tilespmem:s26], [sflag:$0x1] =	stream.indirect_vreg.gather [hbm4b:s10+s2], $0x80, v15, vm1, $0xb8;
	[tilespmem:$0x1BB00] =	vst v63  }
0x7a: {  	v15 =	vld [tilespmem:$0xBA50];
	_ =	sdelay $0x4  }
0x7b: {  	v53 =	vshll.u32 v15, $0x2  }
0x7c: {  	v15 =	vand.u32 $0x7, v15;
	v16 =	vand.u32 $0xFFFFFFE0, v53  }
0x7d: {  	v15 =	vor.u32 v15, v16  }
0x7e: {  	v16 =	vperm.xlane v15, v12;
	_ =	sdelay $0x1  }
0x7f: {  	v16 =	vadd.s32 v13, v16;
	_ =	sdelay $0x1  }
0x80: {  	v15 =	vperm.xlane v15, v14;
	_ =	sdelay $0x1  }
0x81: {  	v15 =	vadd.s32 v13, v15  }
0x82: {  	[tilespmem:s28], [sflag:$0x1] =	stream.indirect_vreg.gather [hbm4b:s5+s2], $0x80, v16, vm1, $0xb8;
	[tilespmem:$0x1BB00] =	vst v63  }
0x83: {  	_ = 	snop  }
0x84: {  	[tilespmem:s21], [sflag:$0x1] =	stream.indirect_vreg.gather [hbm4b:s10+s2], $0x80, v16, vm1, $0xb8;
	[tilespmem:$0x1BB00] =	vst v63  }
0x85: {  	_ = 	snop  }
0x86: {  	[tilespmem:s29], [sflag:$0x1] =	stream.indirect_vreg.gather [hbm4b:s5+s2], $0x80, v15, vm1, $0xb8;
	[tilespmem:$0x1BB00] =	vst v63  }
0x87: {  	_ = 	snop  }
0x88: {  	[tilespmem:s18], [sflag:$0x1] =	stream.indirect_vreg.gather [hbm4b:s10+s2], $0x80, v15, vm1, $0xb8;
	[tilespmem:$0x1BB00] =	vst v63  }
0x89: {  	v15 =	vld [tilespmem:$0xBA60];
	_ =	sdelay $0x4  }
0x8a: {  	v54 =	vshll.u32 v15, $0x2  }
0x8b: {  	v15 =	vand.u32 $0x7, v15;
	v16 =	vand.u32 $0xFFFFFFE0, v54  }
0x8c: {  	v15 =	vor.u32 v15, v16  }
0x8d: {  	v16 =	vperm.xlane v15, v12;
	_ =	sdelay $0x1  }
0x8e: {  	v16 =	vadd.s32 v13, v16;
	_ =	sdelay $0x1  }
0x8f: {  	v15 =	vperm.xlane v15, v14;
	_ =	sdelay $0x1  }
0x90: {  	s3 =	simm.s32 $0x17B00;
	v15 =	vadd.s32 v13, v15  }
0x91: {  	[tilespmem:s3], [sflag:$0x1] =	stream.indirect_vreg.gather [hbm4b:s5+s2], $0x80, v16, vm1, $0xb8;
	[tilespmem:$0x1BB00] =	vst v63  }
0x92: {  	s3 =	simm.s32 $0x18300  }
0x93: {  	[tilespmem:s3], [sflag:$0x1] =	stream.indirect_vreg.gather [hbm4b:s10+s2], $0x80, v16, vm1, $0xb8;
	[tilespmem:$0x1BB00] =	vst v63  }
0x94: {  	s3 =	simm.s32 $0x18B00  }
0x95: {  	[tilespmem:s3], [sflag:$0x1] =	stream.indirect_vreg.gather [hbm4b:s5+s2], $0x80, v15, vm1, $0xb8;
	[tilespmem:$0x1BB00] =	vst v63  }
0x96: {  	s3 =	simm.s32 $0x19300  }
0x97: {  	[tilespmem:s3], [sflag:$0x1] =	stream.indirect_vreg.gather [hbm4b:s10+s2], $0x80, v15, vm1, $0xb8;
	[tilespmem:$0x1BB00] =	vst v63  }
0x98: {  	v15 =	vld [tilespmem:$0xBA70];
	_ =	sdelay $0x4  }
0x99: {  	v55 =	vshll.u32 v15, $0x2  }
0x9a: {  	v15 =	vand.u32 $0x7, v15;
	v16 =	vand.u32 $0xFFFFFFE0, v55  }
0x9b: {  	v15 =	vor.u32 v15, v16  }
0x9c: {  	v16 =	vperm.xlane v15, v12;
	_ =	sdelay $0x1  }
0x9d: {  	v16 =	vadd.s32 v13, v16;
	_ =	sdelay $0x1  }
0x9e: {  	v15 =	vperm.xlane v15, v14;
	_ =	sdelay $0x1  }
0x9f: {  	s3 =	simm.s32 $0x19B00;
	v15 =	vadd.s32 v13, v15  }
0xa0: {  	[tilespmem:s3], [sflag:$0x1] =	stream.indirect_vreg.gather [hbm4b:s5+s2], $0x80, v16, vm1, $0xb8;
	[tilespmem:$0x1BB00] =	vst v63  }
0xa1: {  	s3 =	simm.s32 $0x1A300  }
0xa2: {  	[tilespmem:s3], [sflag:$0x1] =	stream.indirect_vreg.gather [hbm4b:s10+s2], $0x80, v16, vm1, $0xb8;
	[tilespmem:$0x1BB00] =	vst v63  }
0xa3: {  	s3 =	simm.s32 $0x1AB00  }
0xa4: {  	[tilespmem:s3], [sflag:$0x1] =	stream.indirect_vreg.gather [hbm4b:s5+s2], $0x80, v15, vm1, $0xb8;
	[tilespmem:$0x1BB00] =	vst v63  }
0xa5: {  	s3 =	simm.s32 $0x1B300  }
0xa6: {  	[tilespmem:s3], [sflag:$0x1] =	stream.indirect_vreg.gather [hbm4b:s10+s2], $0x80, v15, vm1, $0xb8;
	[tilespmem:$0x1BB00] =	vst v63  }
0xa7: {  	_ =	swait.ge [sflag:s14], $0x10000  }
0xa8: {  	s3 =	sshll.u32 s0, $0xB;
	[sflag:s14] =	ssyncset.done $0x0;
	s0 =	rddreg [dreg:$0x6]  }
0xa9: {  	[sflag:s14] =	ssyncadd.s32 $0xFFFF0000;
	s1 =	sadd.s32 s0, s3;
	s0 =	simm.s32 $0xBB00  }
0xaa: {  	[hbm4b:s1+s2] =	stream.linear.scatter [tilespmem:s0], [sflag:$0x2], $0x10000, $0x38;
	[tilespmem:$0x1BB00] =	vst v63  }
0xab: {  	_ =	swait.ge [sflag:s31], $0x10000  }
0xac: {  	[sflag:s31] =	ssyncset.done $0x0  }
0xad: {  	[sflag:s31] =	ssyncadd.s32 $0xFFFF0000  }
0xae: {  	v15 =	vld [tilespmem:$0xBA80];
	_ =	sdelay $0x4  }
0xaf: {  	v56 =	vshll.u32 v15, $0x2  }
0xb0: {  	v15 =	vand.u32 $0x7, v15;
	v16 =	vand.u32 $0xFFFFFFE0, v56  }
0xb1: {  	v15 =	vor.u32 v15, v16  }
0xb2: {  	v16 =	vperm.xlane v15, v12;
	_ =	sdelay $0x1  }
0xb3: {  	v16 =	vadd.s32 v13, v16;
	_ =	sdelay $0x1  }
0xb4: {  	v15 =	vperm.xlane v15, v14;
	_ =	sdelay $0x1  }
0xb5: {  	v15 =	vadd.s32 v13, v15  }
0xb6: {  	[tilespmem:s0], [sflag:$0x1] =	stream.indirect_vreg.gather [hbm4b:s5+s2], $0x80, v16, vm1, $0xb8;
	[tilespmem:$0x1BB00] =	vst v63  }
0xb7: {  	s1 =	simm.s32 $0xC300  }
0xb8: {  	[tilespmem:s1], [sflag:$0x1] =	stream.indirect_vreg.gather [hbm4b:s10+s2], $0x80, v16, vm1, $0xb8;
	[tilespmem:$0x1BB00] =	vst v63  }
0xb9: {  	_ = 	snop  }
0xba: {  	[tilespmem:s9], [sflag:$0x1] =	stream.indirect_vreg.gather [hbm4b:s5+s2], $0x80, v15, vm1, $0xb8;
	[tilespmem:$0x1BB00] =	vst v63  }
0xbb: {  	_ = 	snop  }
0xbc: {  	[tilespmem:s12], [sflag:$0x1] =	stream.indirect_vreg.gather [hbm4b:s10+s2], $0x80, v15, vm1, $0xb8;
	[tilespmem:$0x1BB00] =	vst v63  }
0xbd: {  	v15 =	vld [tilespmem:$0xBA90];
	_ =	sdelay $0x4  }
0xbe: {  	v57 =	vshll.u32 v15, $0x2  }
0xbf: {  	v15 =	vand.u32 $0x7, v15;
	v16 =	vand.u32 $0xFFFFFFE0, v57  }
0xc0: {  	v15 =	vor.u32 v15, v16  }
0xc1: {  	v16 =	vperm.xlane v15, v12;
	_ =	sdelay $0x1  }
0xc2: {  	v16 =	vadd.s32 v13, v16;
	_ =	sdelay $0x1  }
0xc3: {  	v15 =	vperm.xlane v15, v14;
	_ =	sdelay $0x1  }
0xc4: {  	v15 =	vadd.s32 v13, v15  }
0xc5: {  	[tilespmem:s13], [sflag:$0x1] =	stream.indirect_vreg.gather [hbm4b:s5+s2], $0x80, v16, vm1, $0xb8;
	[tilespmem:$0x1BB00] =	vst v63  }
0xc6: {  	_ = 	snop  }
0xc7: {  	[tilespmem:s15], [sflag:$0x1] =	stream.indirect_vreg.gather [hbm4b:s10+s2], $0x80, v16, vm1, $0xb8;
	[tilespmem:$0x1BB00] =	vst v63  }
0xc8: {  	_ = 	snop  }
0xc9: {  	[tilespmem:s16], [sflag:$0x1] =	stream.indirect_vreg.gather [hbm4b:s5+s2], $0x80, v15, vm1, $0xb8;
	[tilespmem:$0x1BB00] =	vst v63  }
0xca: {  	_ = 	snop  }
0xcb: {  	[tilespmem:s17], [sflag:$0x1] =	stream.indirect_vreg.gather [hbm4b:s10+s2], $0x80, v15, vm1, $0xb8;
	[tilespmem:$0x1BB00] =	vst v63  }
0xcc: {  	v15 =	vld [tilespmem:$0xBAA0];
	_ =	sdelay $0x4  }
0xcd: {  	v58 =	vshll.u32 v15, $0x2  }
0xce: {  	v15 =	vand.u32 $0x7, v15;
	v16 =	vand.u32 $0xFFFFFFE0, v58  }
0xcf: {  	v15 =	vor.u32 v15, v16  }
0xd0: {  	v16 =	vperm.xlane v15, v12;
	_ =	sdelay $0x1  }
0xd1: {  	v16 =	vadd.s32 v13, v16;
	_ =	sdelay $0x1  }
0xd2: {  	v15 =	vperm.xlane v15, v14;
	_ =	sdelay $0x1  }
0xd3: {  	v15 =	vadd.s32 v13, v15  }
0xd4: {  	[tilespmem:s19], [sflag:$0x1] =	stream.indirect_vreg.gather [hbm4b:s5+s2], $0x80, v16, vm1, $0xb8;
	[tilespmem:$0x1BB00] =	vst v63  }
0xd5: {  	_ = 	snop  }
0xd6: {  	[tilespmem:s20], [sflag:$0x1] =	stream.indirect_vreg.gather [hbm4b:s10+s2], $0x80, v16, vm1, $0xb8;
	[tilespmem:$0x1BB00] =	vst v63  }
0xd7: {  	_ = 	snop  }
0xd8: {  	[tilespmem:s4], [sflag:$0x1] =	stream.indirect_vreg.gather [hbm4b:s5+s2], $0x80, v15, vm1, $0xb8;
	[tilespmem:$0x1BB00] =	vst v63  }
0xd9: {  	_ = 	snop  }
0xda: {  	[tilespmem:s6], [sflag:$0x1] =	stream.indirect_vreg.gather [hbm4b:s10+s2], $0x80, v15, vm1, $0xb8;
	[tilespmem:$0x1BB00] =	vst v63  }
0xdb: {  	v15 =	vld [tilespmem:$0xBAB0];
	_ =	sdelay $0x4  }
0xdc: {  	v59 =	vshll.u32 v15, $0x2  }
0xdd: {  	v15 =	vand.u32 $0x7, v15;
	v16 =	vand.u32 $0xFFFFFFE0, v59  }
0xde: {  	v15 =	vor.u32 v15, v16  }
0xdf: {  	v16 =	vperm.xlane v15, v12;
	_ =	sdelay $0x1  }
0xe0: {  	v16 =	vadd.s32 v13, v16;
	_ =	sdelay $0x1  }
0xe1: {  	v15 =	vperm.xlane v15, v14;
	_ =	sdelay $0x1  }
0xe2: {  	v15 =	vadd.s32 v13, v15  }
0xe3: {  	[tilespmem:s7], [sflag:$0x1] =	stream.indirect_vreg.gather [hbm4b:s5+s2], $0x80, v16, vm1, $0xb8;
	[tilespmem:$0x1BB00] =	vst v63  }
0xe4: {  	_ = 	snop  }
0xe5: {  	[tilespmem:s8], [sflag:$0x1] =	stream.indirect_vreg.gather [hbm4b:s10+s2], $0x80, v16, vm1, $0xb8;
	[tilespmem:$0x1BB00] =	vst v63  }
0xe6: {  	_ = 	snop  }
0xe7: {  	[tilespmem:s11], [sflag:$0x1] =	stream.indirect_vreg.gather [hbm4b:s5+s2], $0x80, v15, vm1, $0xb8;
	[tilespmem:$0x1BB00] =	vst v63  }
0xe8: {  	_ = 	snop  }
0xe9: {  	[tilespmem:s22], [sflag:$0x1] =	stream.indirect_vreg.gather [hbm4b:s10+s2], $0x80, v15, vm1, $0xb8;
	[tilespmem:$0x1BB00] =	vst v63  }
0xea: {  	v15 =	vld [tilespmem:$0xBAC0];
	_ =	sdelay $0x4  }
0xeb: {  	v60 =	vshll.u32 v15, $0x2  }
0xec: {  	v15 =	vand.u32 $0x7, v15;
	v16 =	vand.u32 $0xFFFFFFE0, v60  }
0xed: {  	v15 =	vor.u32 v15, v16  }
0xee: {  	v16 =	vperm.xlane v15, v12;
	_ =	sdelay $0x1  }
0xef: {  	v16 =	vadd.s32 v13, v16;
	_ =	sdelay $0x1  }
0xf0: {  	v15 =	vperm.xlane v15, v14;
	_ =	sdelay $0x1  }
0xf1: {  	v15 =	vadd.s32 v13, v15  }
0xf2: {  	[tilespmem:s23], [sflag:$0x1] =	stream.indirect_vreg.gather [hbm4b:s5+s2], $0x80, v16, vm1, $0xb8;
	[tilespmem:$0x1BB00] =	vst v63  }
0xf3: {  	_ = 	snop  }
0xf4: {  	[tilespmem:s24], [sflag:$0x1] =	stream.indirect_vreg.gather [hbm4b:s10+s2], $0x80, v16, vm1, $0xb8;
	[tilespmem:$0x1BB00] =	vst v63  }
0xf5: {  	_ = 	snop  }
0xf6: {  	[tilespmem:s25], [sflag:$0x1] =	stream.indirect_vreg.gather [hbm4b:s5+s2], $0x80, v15, vm1, $0xb8;
	[tilespmem:$0x1BB00] =	vst v63  }
0xf7: {  	_ = 	snop  }
0xf8: {  	[tilespmem:s26], [sflag:$0x1] =	stream.indirect_vreg.gather [hbm4b:s10+s2], $0x80, v15, vm1, $0xb8;
	[tilespmem:$0x1BB00] =	vst v63  }
0xf9: {  	v15 =	vld [tilespmem:$0xBAD0];
	_ =	sdelay $0x4  }
0xfa: {  	v61 =	vshll.u32 v15, $0x2  }
0xfb: {  	v15 =	vand.u32 $0x7, v15;
	v16 =	vand.u32 $0xFFFFFFE0, v61  }
0xfc: {  	v15 =	vor.u32 v15, v16  }
0xfd: {  	v16 =	vperm.xlane v15, v12;
	_ =	sdelay $0x1  }
0xfe: {  	v16 =	vadd.s32 v13, v16;
	_ =	sdelay $0x1  }
0xff: {  	v15 =	vperm.xlane v15, v14;
	_ =	sdelay $0x1  }
0x100: {  	v15 =	vadd.s32 v13, v15  }
0x101: {  	[tilespmem:s28], [sflag:$0x1] =	stream.indirect_vreg.gather [hbm4b:s5+s2], $0x80, v16, vm1, $0xb8;
	[tilespmem:$0x1BB00] =	vst v63  }
0x102: {  	_ = 	snop  }
0x103: {  	[tilespmem:s21], [sflag:$0x1] =	stream.indirect_vreg.gather [hbm4b:s10+s2], $0x80, v16, vm1, $0xb8;
	[tilespmem:$0x1BB00] =	vst v63  }
0x104: {  	_ = 	snop  }
0x105: {  	[tilespmem:s29], [sflag:$0x1] =	stream.indirect_vreg.gather [hbm4b:s5+s2], $0x80, v15, vm1, $0xb8;
	[tilespmem:$0x1BB00] =	vst v63  }
0x106: {  	_ = 	snop  }
0x107: {  	[tilespmem:s18], [sflag:$0x1] =	stream.indirect_vreg.gather [hbm4b:s10+s2], $0x80, v15, vm1, $0xb8;
	[tilespmem:$0x1BB00] =	vst v63  }
0x108: {  	v15 =	vld [tilespmem:$0xBAE0];
	_ =	sdelay $0x4  }
0x109: {  	v62 =	vshll.u32 v15, $0x2  }
0x10a: {  	v15 =	vand.u32 $0x7, v15;
	v16 =	vand.u32 $0xFFFFFFE0, v62  }
0x10b: {  	v15 =	vor.u32 v15, v16  }
0x10c: {  	v16 =	vperm.xlane v15, v12;
	_ =	sdelay $0x1  }
0x10d: {  	v16 =	vadd.s32 v13, v16;
	_ =	sdelay $0x1  }
0x10e: {  	v15 =	vperm.xlane v15, v14;
	_ =	sdelay $0x1  }
0x10f: {  	s15 =	simm.s32 $0x17B00;
	v15 =	vadd.s32 v13, v15  }
0x110: {  	[tilespmem:s15], [sflag:$0x1] =	stream.indirect_vreg.gather [hbm4b:s5+s2], $0x80, v16, vm1, $0xb8;
	[tilespmem:$0x1BB00] =	vst v63  }
0x111: {  	s16 =	simm.s32 $0x18300  }
0x112: {  	[tilespmem:s16], [sflag:$0x1] =	stream.indirect_vreg.gather [hbm4b:s10+s2], $0x80, v16, vm1, $0xb8;
	[tilespmem:$0x1BB00] =	vst v63  }
0x113: {  	s17 =	simm.s32 $0x18B00  }
0x114: {  	[tilespmem:s17], [sflag:$0x1] =	stream.indirect_vreg.gather [hbm4b:s5+s2], $0x80, v15, vm1, $0xb8;
	[tilespmem:$0x1BB00] =	vst v63  }
0x115: {  	s19 =	simm.s32 $0x19300  }
0x116: {  	[tilespmem:s19], [sflag:$0x1] =	stream.indirect_vreg.gather [hbm4b:s10+s2], $0x80, v15, vm1, $0xb8;
	[tilespmem:$0x1BB00] =	vst v63  }
0x117: {  	v15 =	vld [tilespmem:$0xBAF0];
	_ =	sdelay $0x4  }
0x118: {  	v63 =	vshll.u32 v15, $0x2  }
0x119: {  	v15 =	vand.u32 $0x7, v15;
	v16 =	vand.u32 $0xFFFFFFE0, v63  }
0x11a: {  	v15 =	vor.u32 v15, v16  }
0x11b: {  	v16 =	vperm.xlane v15, v12;
	_ =	sdelay $0x1  }
0x11c: {  	v16 =	vadd.s32 v13, v16;
	_ =	sdelay $0x1  }
0x11d: {  	v15 =	vperm.xlane v15, v14;
	_ =	sdelay $0x1  }
0x11e: {  	s1 =	simm.s32 $0x19B00;
	v15 =	vadd.s32 v13, v15  }
0x11f: {  	[tilespmem:s1], [sflag:$0x1] =	stream.indirect_vreg.gather [hbm4b:s5+s2], $0x80, v16, vm1, $0xb8;
	[tilespmem:$0x1BB00] =	vst v63  }
0x120: {  	s4 =	simm.s32 $0x1A300  }
0x121: {  	[tilespmem:s4], [sflag:$0x1] =	stream.indirect_vreg.gather [hbm4b:s10+s2], $0x80, v16, vm1, $0xb8;
	[tilespmem:$0x1BB00] =	vst v63  }
0x122: {  	s9 =	simm.s32 $0x1AB00  }
0x123: {  	[tilespmem:s9], [sflag:$0x1] =	stream.indirect_vreg.gather [hbm4b:s5+s2], $0x80, v15, vm1, $0xb8;
	[tilespmem:$0x1BB00] =	vst v63  }
0x124: {  	s12 =	simm.s32 $0x1B300  }
0x125: {  	[tilespmem:s12], [sflag:$0x1] =	stream.indirect_vreg.gather [hbm4b:s10+s2], $0x80, v15, vm1, $0xb8;
	[tilespmem:$0x1BB00] =	vst v63  }
0x126: {  	_ =	swait.ge [sflag:s14], $0x10000  }
0x127: {  	[sflag:s14] =	ssyncset.done $0x0;
	s13 =	rddreg [dreg:$0x9]  }
0x128: {  	s16 =	simm.s32 $0xBB00;
	[sflag:s14] =	ssyncadd.s32 $0xFFFF0000;
	s15 =	sadd.s32 s3, s13  }
0x129: {  	[hbm4b:s15+s2] =	stream.linear.scatter [tilespmem:s16], [sflag:$0x2], $0x10000, $0x38;
	[tilespmem:$0x1BB00] =	vst v63  }
0x12a: {  	_ =	swait.ge [sflag:s31], $0x10000  }
0x12b: {  	s17 =	rddreg [dreg:$0xe]  }
0x12c: {  	s3 =	sadd.s32 $0x1, s17  }
0x12d: {  	p0 =	sne.s32 s3, $0x4  }
.Ltmp3:
0x12e: {  	_ = 	snop;
	(pc) =	sbr.rel @!p0 .LBB2_21-.Ltmp3, $3  }
0x12f: {  	_ =	sdelay $0x1  }
0x130: {  	[sflag:s31] =	ssyncset.done $0x0;
	s19 =	rddreg [dreg:$0xd]  }
0x131: {  	s30 =	sadd.s32 $0x1880, s30;
	[sflag:s31] =	ssyncadd.s32 $0xFFFF0000;
	s4 =	sadd.s32 $0x400, s19  }
.LBB2_2:
0x132: {  	v15 =	vld [tilespmem:s4+$0xFFFFFFF0];
	_ =	sdelay $0x3  }
0x133: {  	s0 =	sadd.s32 $0x0, s30  }
0x134: {  	s1 =	simm.s32 $0x1010;
	v15 =	vadd.s32 s0, v15  }
0x135: {  	[tilespmem:s1+$0xFFFFFFF0] =	vst v15  }
0x136: {  	v15 =	vld [tilespmem:s4+$0x0];
	_ =	sdelay $0x4  }
0x137: {  	[dreg:$0xe] =	wrdreg s3;
	v15 =	vadd.s32 s0, v15  }
0x138: {  	s3 =	sshll.u32 s3, $0x3;
	s9 =	sadd.s32 $0x80, s4;
	s19 =	rddreg [dreg:$0x7];
	[tilespmem:s1+$0x0] =	vst v15  }
0x139: {  	s12 =	simm.s32 $0x310;
	s13 =	simm.s32 $0x620;
	s0 =	sor.u32 s19, s3;
	v15 =	vld [tilespmem:s9+$0xFFFFFFF0]  }
.LBB2_3:
0x13a: {  	p0 =	sne.s32 s13, $0x1570;
	_ =	sdelay $0x2  }
0x13b: {  	s15 =	sadd.s32 s12, s30;
	s12 =	smov.u32 s13  }
0x13c: {  	s1 =	sadd.s32 $0x20, s1;
	v15 =	vadd.s32 s15, v15  }
0x13d: {  	[tilespmem:s1+$0xFFFFFFF0] =	vst v15  }
0x13e: {  	v15 =	vld [tilespmem:s9+$0x0];
	_ =	sdelay $0x2  }
.Ltmp4:
0x13f: {  	(pc) =	sbr.rel @p0 .LBB2_3-.Ltmp4, $4  }
0x140: {  	_ = 	snop  }
0x141: {  	v15 =	vadd.s32 s15, v15  }
0x142: {  	s9 =	sadd.s32 $0x80, s9;
	[tilespmem:s1+$0x0] =	vst v15  }
0x143: {  	s13 =	sadd.s32 $0x310, s13;
	v15 =	vld [tilespmem:s9+$0xFFFFFFF0]  }
0x144: {  	_ =	sdelay $0x2  }
0x145: {  	s12 =	sadd.s32 s12, s30  }
0x146: {  	s1 =	sadd.s32 $0x20, s1;
	v15 =	vadd.s32 s12, v15  }
0x147: {  	[tilespmem:s1+$0xFFFFFFF0] =	vst v15  }
0x148: {  	v15 =	vld [tilespmem:s9+$0x0];
	_ =	sdelay $0x3  }
0x149: {  	[dreg:$0xd] =	wrdreg s4  }
0x14a: {  	s15 =	rddreg [dreg:$0x4];
	s16 =	simm.s32 $0x100;
	s17 =	simm.s32 $0x1000;
	v15 =	vadd.s32 s12, v15  }
.Ltmp5:
0x14b: {  	s13 =	simm.s32 $0x1100;
	s19 =	simm.s32 $0x1;
	[tilespmem:s1+$0x0] =	vst v15;
	(pc) =	sbr.rel .LBB2_5-.Ltmp5, $4  }
0x14c: {  	[tilespmem:s13], [sflag:$0x1] =	stream.indirect.gather [hbm4b:s15+s16], $0x80, s17, s16, $0xb8;
	[tilespmem:$0x1BB00] =	vst v63  }
0x14d: {  	_ =	swait.ge [sflag:s19], $0x8000  }
0x14e: {  	[sflag:s19] =	ssyncset.done $0x0  }
0x14f: {  	s9 =	simm.s32 $0x0;
	s12 =	simm.s32 $0x1140;
	[sflag:s19] =	ssyncadd.s32 $0xFFFF8000  }
.LBB2_19:
0x150: {  	s1 =	sshll.u32 s9, $0x7;
	s13 =	sshll.u32 s9, $0x5;
	s9 =	sadd.s32 $0x1, s9  }
0x151: {  	[tilespmem:s1+$0xB200] =	vst v18;
	p0 =	sne.s32 s9, $0x8  }
.Ltmp6:
0x152: {  	[tilespmem:s1+$0xB210] =	vst v17;
	(pc) =	sbr.rel @!p0 .LBB2_20-.Ltmp6, $4  }
0x153: {  	[tilespmem:s1+$0xB600] =	vst v16  }
0x154: {  	[tilespmem:s1+$0xB610] =	vst v15;
	s19 =	sand.u32 $0xE0, s13  }
0x155: {  	[tilespmem:s19+$0xBA00] =	vst v16  }
0x156: {  	s12 =	sadd.s32 $0x1000, s12;
	[tilespmem:s19+$0xBA10] =	vst v15  }
.LBB2_5:
0x157: {  	v15 =	vmov s12;
	_ =	sdelay $0x3  }
0x158: {  	s13 =	simm.s32 $0x0  }
0x159: {  	v16 =	vld.idx.msk [tilespmem:v15+s13+$0xFFFFFFC0 ss:$0x1], $0xffff  }
0x15a: {  	v17 =	vld.idx.msk [tilespmem:v15+s13+$0xFFFFFFD0 ss:$0x1], $0xffff  }
0x15b: {  	v18 =	vld.idx.msk [tilespmem:v15+s13+$0xFFFFFFE0 ss:$0x1], $0xffff  }
0x15c: {  	v19 =	vld.idx.msk [tilespmem:v15+s13+$0xFFFFFFF0 ss:$0x1], $0xffff  }
0x15d: {  	v20 =	vld.idx.msk [tilespmem:v15+s13+$0x0 ss:$0x1], $0xffff  }
0x15e: {  	v21 =	vld.idx.msk [tilespmem:v15+s13+$0x10 ss:$0x1], $0xffff  }
0x15f: {  	v22 =	vld.idx.msk [tilespmem:v15+s13+$0x20 ss:$0x1], $0xffff  }
0x160: {  	s15 =	simm.s32 $0x80;
	v23 =	vld.idx.msk [tilespmem:v15+s13+$0x30 ss:$0x1], $0xffff  }
0x161: {  	v24 =	vld.idx.msk [tilespmem:v15+s15+$0xFFFFFFC0 ss:$0x1], $0xffff  }
0x162: {  	v25 =	vld.idx.msk [tilespmem:v15+s15+$0xFFFFFFD0 ss:$0x1], $0xffff  }
0x163: {  	v26 =	vld.idx.msk [tilespmem:v15+s15+$0xFFFFFFE0 ss:$0x1], $0xffff  }
0x164: {  	v27 =	vld.idx.msk [tilespmem:v15+s15+$0xFFFFFFF0 ss:$0x1], $0xffff  }
0x165: {  	v28 =	vld.idx.msk [tilespmem:v15+s15+$0x0 ss:$0x1], $0xffff;
	v16 =	vmin.f32 v16, v17  }
0x166: {  	v29 =	vld.idx.msk [tilespmem:v15+s15+$0x10 ss:$0x1], $0xffff;
	v16 =	vmin.f32 v16, v18  }
0x167: {  	v30 =	vld.idx.msk [tilespmem:v15+s15+$0x20 ss:$0x1], $0xffff;
	v16 =	vmin.f32 v16, v19  }
0x168: {  	s17 =	simm.s32 $0x100;
	v31 =	vld.idx.msk [tilespmem:v15+s15+$0x30 ss:$0x1], $0xffff;
	v18 =	vmin.f32 v24, v25;
	v16 =	vmin.f32 v16, v20  }
0x169: {  	v32 =	vld.idx.msk [tilespmem:v15+s17+$0xFFFFFFC0 ss:$0x1], $0xffff;
	v18 =	vmin.f32 v18, v26;
	v16 =	vmin.f32 v16, v21  }
0x16a: {  	v17 =	vld.idx.msk [tilespmem:v15+s17+$0xFFFFFFD0 ss:$0x1], $0xffff;
	v18 =	vmin.f32 v18, v27;
	v16 =	vmin.f32 v16, v22  }
0x16b: {  	v60 =	vld.idx.msk [tilespmem:v15+s17+$0xFFFFFFE0 ss:$0x1], $0xffff;
	v18 =	vmin.f32 v18, v28;
	v16 =	vmin.f32 v16, v23  }
0x16c: {  	v19 =	vld.idx.msk [tilespmem:v15+s17+$0xFFFFFFF0 ss:$0x1], $0xffff;
	v18 =	vmin.f32 v18, v29;
	(xrf0) =	vmin.scan.msk.f32 $0xffff, v16  }
0x16d: {  	v20 =	vld.idx.msk [tilespmem:v15+s17+$0x0 ss:$0x1], $0xffff;
	v18 =	vmin.f32 v18, v30  }
0x16e: {  	v16 =	vmin.f32 v18, v31  }
0x16f: {  	(xrf0) =	vmin.scan.msk.f32 $0xffff, v16;
	v16 =	vmin.f32 v32, v17  }
0x170: {  	v21 =	vld.idx.msk [tilespmem:v15+s17+$0x10 ss:$0x1], $0xffff;
	v16 =	vmin.f32 v16, v60  }
0x171: {  	v22 =	vld.idx.msk [tilespmem:v15+s17+$0x20 ss:$0x1], $0xffff;
	v16 =	vmin.f32 v16, v19  }
0x172: {  	v18 =	vmin.f32 v16, v20;
	v20, _, _ =	vpop (xrf0)  }
0x173: {  	(v2sf) =	vpush v20, $0xF  }
0x174: {  	s19 =	simm.s32 $0x180  }
0x175: {  	v61 =	vld.idx.msk [tilespmem:v15+s19+$0xFFFFFFC0 ss:$0x1], $0xffff;
	v19 =	vmin.f32 v18, v21  }
0x176: {  	v23 =	vld.idx.msk [tilespmem:v15+s17+$0x30 ss:$0x1], $0xffff;
	v21 =	vmin.f32 v19, v22;
	v22, _, _ =	vpop (xrf0)  }
0x177: {  	v62 =	vld.idx.msk [tilespmem:v15+s19+$0xFFFFFFD0 ss:$0x1], $0xffff;
	(v2sf) =	vpush v22, $0xF  }
0x178: {  	v63 =	vld.idx.msk [tilespmem:v15+s19+$0xFFFFFFE0 ss:$0x1], $0xffff  }
0x179: {  	v17 =	vld.idx.msk [tilespmem:v15+s19+$0xFFFFFFF0 ss:$0x1], $0xffff  }
0x17a: {  	v16 =	vld.idx.msk [tilespmem:v15+s19+$0x0 ss:$0x1], $0xffff  }
0x17b: {  	v18 =	vld.idx.msk [tilespmem:v15+s19+$0x10 ss:$0x1], $0xffff;
	v21 =	vmin.f32 v21, v23  }
0x17c: {  	v19 =	vld.idx.msk [tilespmem:v15+s19+$0x20 ss:$0x1], $0xffff;
	(xrf0) =	vmin.scan.msk.f32 $0xffff, v21  }
0x17d: {  	s13 =	simm.s32 $0x200;
	v23 =	vmin.f32 v61, v62;
	v20 =	vld.idx.msk [tilespmem:v15+s19+$0x30 ss:$0x1], $0xffff  }
0x17e: {  	s1 =	simm.f32 $-3.000000010e+38;
	s15 =	simm.s32 $0xA00;
	v21 =	vld.idx.msk [tilespmem:v15+s13+$0xFFFFFFC0 ss:$0x1], $0xffff;
	v22 =	vmin.f32 v23, v63  }
.LBB2_6:
0x17f: {  	p0 =	seq.s32 s15, $0x3E00;
	v23 =	vld.idx.msk [tilespmem:v15+s13+$0xFFFFFFD0 ss:$0x1], $0xffff;
	v17 =	vmin.f32 v22, v17  }
0x180: {  	v22 =	vld.idx.msk [tilespmem:v15+s13+$0xFFFFFFE0 ss:$0x1], $0xffff;
	v16 =	vmin.f32 v17, v16  }
0x181: {  	v17 =	vld.idx.msk [tilespmem:v15+s13+$0xFFFFFFF0 ss:$0x1], $0xffff;
	v18 =	vmin.f32 v16, v18  }
.Ltmp7:
0x182: {  	v16 =	vld.idx.msk [tilespmem:v15+s13+$0x0 ss:$0x1], $0xffff;
	v19 =	vmin.f32 v18, v19;
	v24, _, _ =	vpop (xrf0);
	s16 =	spop (v2sf);
	(pc) =	sbr.rel @!p0 .LBB2_6-.Ltmp7, $4  }
0x183: {  	v18 =	vld.idx.msk [tilespmem:v15+s13+$0x10 ss:$0x1], $0xffff;
	v20 =	vmin.f32 v19, v20;
	(v2sf) =	vpush v24, $0xF;
	s1 =	smax.f32 s1, s16  }
0x184: {  	v19 =	vld.idx.msk [tilespmem:v15+s13+$0x20 ss:$0x1], $0xffff;
	(xrf0) =	vmin.scan.msk.f32 $0xffff, v20  }
0x185: {  	v23 =	vmin.f32 v21, v23;
	v20 =	vld.idx.msk [tilespmem:v15+s13+$0x30 ss:$0x1], $0xffff;
	s13 =	sshra.s32 s15, $0x2  }
0x186: {  	s15 =	sadd.s32 $0x200, s15;
	v22 =	vmin.f32 v23, v22;
	v21 =	vld.idx.msk [tilespmem:v15+s13+$0xFFFFFFC0 ss:$0x1], $0xffff  }
0x187: {  	_ =	sdelay $0x3  }
0x188: {  	v23 =	vld.idx.msk [tilespmem:v15+s13+$0xFFFFFFD0 ss:$0x1], $0xffff  }
0x189: {  	v24 =	vld.idx.msk [tilespmem:v15+s13+$0xFFFFFFE0 ss:$0x1], $0xffff  }
0x18a: {  	v25 =	vld.idx.msk [tilespmem:v15+s13+$0xFFFFFFF0 ss:$0x1], $0xffff  }
0x18b: {  	v26 =	vld.idx.msk [tilespmem:v15+s13+$0x0 ss:$0x1], $0xffff  }
0x18c: {  	v27 =	vld.idx.msk [tilespmem:v15+s13+$0x10 ss:$0x1], $0xffff  }
0x18d: {  	v63 =	vld.idx.msk [tilespmem:v15+s13+$0x20 ss:$0x1], $0xffff;
	v21 =	vmin.f32 v21, v23  }
0x18e: {  	v17 =	vmin.f32 v22, v17;
	v15 =	vld.idx.msk [tilespmem:v15+s13+$0x30 ss:$0x1], $0xffff;
	v21 =	vmin.f32 v21, v24  }
0x18f: {  	v16 =	vmin.f32 v17, v16;
	v17 =	vmin.f32 v21, v25  }
0x190: {  	v16 =	vmin.f32 v16, v18;
	v17 =	vmin.f32 v17, v26  }
0x191: {  	v16 =	vmin.f32 v16, v19;
	v17 =	vmin.f32 v17, v27  }
0x192: {  	v16 =	vmin.f32 v16, v20;
	v17 =	vmin.f32 v17, v63  }
0x193: {  	(xrf0) =	vmin.scan.msk.f32 $0xffff, v16;
	v15 =	vmin.f32 v17, v15  }
0x194: {  	(xrf0) =	vmin.scan.msk.f32 $0xffff, v15;
	_ =	sdelay $0x3  }
0x195: {  	v15, _, _ =	vpop (xrf0)  }
0x196: {  	v16, _, _ =	vpop (xrf0);
	(v2sf) =	vpush v15, $0xF  }
0x197: {  	(v2sf) =	vpush v16, $0xF;
	v15, _, _ =	vpop (xrf0)  }
0x198: {  	(v2sf) =	vpush v15, $0xF;
	_ =	sdelay $0x1  }
0x199: {  	s4 =	spop (v2sf)  }
0x19a: {  	s1 =	smax.f32 s1, s4;
	s4 =	sor.u32 s3, s9  }
0x19b: {  	s13 =	sshll.u32 s4, $0x7  }
0x19c: {  	v16 =	vmov s13;
	s13 =	simm.s32 $0x0  }
0x19d: {  	v17 =	vmov s13  }
0x19e: {  	v17 =	vand.u32 $0x7F, v17  }
0x19f: {  	v17 =	vadd.s32 v16, v17  }
0x1a0: {  	v17 =	vbroadcast v17, $0x0;
	_ =	sdelay $0x2  }
0x1a1: {  	s15 =	spop (v2sf)  }
0x1a2: {  	v18 =	vld [tilespmem:s12+$0xFFFFFFC0];
	s1 =	smax.f32 s1, s15;
	s16 =	spop (v2sf)  }
0x1a3: {  	s1 =	smax.f32 s1, s16;
	s17 =	spop (v2sf)  }
0x1a4: {  	v17 =	vld.idx.msk [tilespmem:v17+s2+$0x0], $0xffff;
	s1 =	smax.f32 s1, s17;
	s19 =	spop (v2sf)  }
0x1a5: {  	s1 =	smax.f32 s1, s19  }
0x1a6: {  	v15 =	vmov s1  }
0x1a7: {  	vm2 =	vle.f32 v18, v15  }
0x1a8: {  	v19 =	vmpcnt.ones.xlane vm2  }
0x1a9: {  	v17 =	vshll.u32 v17, $0x7  }
0x1aa: {  	v20 =	vor.u32 v2, v17;
	[tilespmem:s13+$0x9100] =	vst.msk vm2, v18;
	v18 =	vxor.u32 $0x80000000, v19  }
0x1ab: {  	[tilespmem:s13+$0xA180] =	vst.msk vm2, v20;
	(xrf0) =	vmax.scan.msk.u32 $0xffff, v18  }
0x1ac: {  	v18 =	vld [tilespmem:s12+$0xFFFFFFD0];
	_ =	sdelay $0x4  }
0x1ad: {  	vm2 =	vle.f32 v18, v15;
	v19, _, _ =	vpop (xrf0)  }
0x1ae: {  	v20 =	vmpcnt.ones.xlane vm2;
	(v2sf) =	vpush v19, $0xF;
	_ =	sdelay $0x1  }
0x1af: {  	v19 =	vxor.u32 $0x80000000, v20  }
0x1b0: {  	(xrf0) =	vmax.scan.msk.u32 $0xffff, v19;
	_ =	sdelay $0x5  }
0x1b1: {  	v19, _, _ =	vpop (xrf0)  }
0x1b2: {  	(v2sf) =	vpush v19, $0xF;
	_ =	sdelay $0x4  }
0x1b3: {  	s15 =	spop (v2sf)  }
0x1b4: {  	s1 =	sadd.s32 $0x0, s15  }
0x1b5: {  	s1 =	sadd.s32 $0x80000000, s1  }
0x1b6: {  	v19 =	vor.u32 v3, v17;
	[tilespmem:s1+$0x9100] =	vst.msk vm2, v18  }
0x1b7: {  	[tilespmem:s1+$0xA180] =	vst.msk vm2, v19  }
0x1b8: {  	v18 =	vld [tilespmem:s12+$0xFFFFFFE0];
	_ =	sdelay $0x4  }
0x1b9: {  	s16 =	spop (v2sf);
	vm2 =	vle.f32 v18, v15  }
0x1ba: {  	s1 =	sadd.s32 s16, s1;
	v19 =	vmpcnt.ones.xlane vm2  }
0x1bb: {  	s1 =	sadd.s32 $0x80000000, s1  }
0x1bc: {  	v20 =	vor.u32 v4, v17;
	[tilespmem:s1+$0x9100] =	vst.msk vm2, v18;
	v18 =	vxor.u32 $0x80000000, v19  }
0x1bd: {  	[tilespmem:s1+$0xA180] =	vst.msk vm2, v20;
	(xrf0) =	vmax.scan.msk.u32 $0xffff, v18  }
0x1be: {  	v18 =	vld [tilespmem:s12+$0xFFFFFFF0];
	_ =	sdelay $0x4  }
0x1bf: {  	vm2 =	vle.f32 v18, v15;
	v19, _, _ =	vpop (xrf0)  }
0x1c0: {  	v20 =	vmpcnt.ones.xlane vm2;
	(v2sf) =	vpush v19, $0xF;
	_ =	sdelay $0x1  }
0x1c1: {  	v19 =	vxor.u32 $0x80000000, v20  }
0x1c2: {  	(xrf0) =	vmax.scan.msk.u32 $0xffff, v19;
	_ =	sdelay $0x5  }
0x1c3: {  	v19, _, _ =	vpop (xrf0)  }
0x1c4: {  	(v2sf) =	vpush v19, $0xF;
	_ =	sdelay $0x4  }
0x1c5: {  	s17 =	spop (v2sf)  }
0x1c6: {  	s1 =	sadd.s32 s17, s1  }
0x1c7: {  	s1 =	sadd.s32 $0x80000000, s1  }
0x1c8: {  	v19 =	vor.u32 v5, v17;
	[tilespmem:s1+$0x9100] =	vst.msk vm2, v18  }
0x1c9: {  	[tilespmem:s1+$0xA180] =	vst.msk vm2, v19  }
0x1ca: {  	v18 =	vld [tilespmem:s12+$0x0];
	_ =	sdelay $0x4  }
0x1cb: {  	s19 =	spop (v2sf);
	vm2 =	vle.f32 v18, v15  }
0x1cc: {  	s1 =	sadd.s32 s19, s1;
	v19 =	vmpcnt.ones.xlane vm2  }
0x1cd: {  	s1 =	sadd.s32 $0x80000000, s1  }
0x1ce: {  	v20 =	vor.u32 v6, v17;
	[tilespmem:s1+$0x9100] =	vst.msk vm2, v18;
	v18 =	vxor.u32 $0x80000000, v19  }
0x1cf: {  	[tilespmem:s1+$0xA180] =	vst.msk vm2, v20;
	(xrf0) =	vmax.scan.msk.u32 $0xffff, v18  }
0x1d0: {  	v18 =	vld [tilespmem:s12+$0x10];
	_ =	sdelay $0x4  }
0x1d1: {  	vm2 =	vle.f32 v18, v15;
	v19, _, _ =	vpop (xrf0)  }
0x1d2: {  	v20 =	vmpcnt.ones.xlane vm2;
	(v2sf) =	vpush v19, $0xF;
	_ =	sdelay $0x1  }
0x1d3: {  	v19 =	vxor.u32 $0x80000000, v20  }
0x1d4: {  	(xrf0) =	vmax.scan.msk.u32 $0xffff, v19;
	_ =	sdelay $0x5  }
0x1d5: {  	v19, _, _ =	vpop (xrf0)  }
0x1d6: {  	(v2sf) =	vpush v19, $0xF;
	_ =	sdelay $0x4  }
0x1d7: {  	s4 =	spop (v2sf)  }
0x1d8: {  	s1 =	sadd.s32 s4, s1  }
0x1d9: {  	s1 =	sadd.s32 $0x80000000, s1  }
0x1da: {  	v19 =	vor.u32 v7, v17;
	[tilespmem:s1+$0x9100] =	vst.msk vm2, v18  }
0x1db: {  	[tilespmem:s1+$0xA180] =	vst.msk vm2, v19  }
0x1dc: {  	v18 =	vld [tilespmem:s12+$0x20];
	_ =	sdelay $0x4  }
0x1dd: {  	s15 =	spop (v2sf);
	vm2 =	vle.f32 v18, v15  }
0x1de: {  	s1 =	sadd.s32 s15, s1;
	v19 =	vmpcnt.ones.xlane vm2  }
0x1df: {  	s1 =	sadd.s32 $0x80000000, s1  }
0x1e0: {  	[tilespmem:s1+$0x9100] =	vst.msk vm2, v18;
	v18 =	vxor.u32 $0x80000000, v19  }
0x1e1: {  	(xrf0) =	vmax.scan.msk.u32 $0xffff, v18  }
0x1e2: {  	v20 =	vor.u32 v8, v17  }
0x1e3: {  	[tilespmem:s1+$0xA180] =	vst.msk vm2, v20  }
0x1e4: {  	v18 =	vld [tilespmem:s12+$0x30];
	_ =	sdelay $0x2  }
0x1e5: {  	v19, _, _ =	vpop (xrf0)  }
0x1e6: {  	(v2sf) =	vpush v19, $0xF  }
0x1e7: {  	vm2 =	vle.f32 v18, v15  }
0x1e8: {  	v20 =	vmpcnt.ones.xlane vm2;
	_ =	sdelay $0x1  }
0x1e9: {  	v19 =	vxor.u32 $0x80000000, v20  }
0x1ea: {  	(xrf0) =	vmax.scan.msk.u32 $0xffff, v19;
	_ =	sdelay $0x5  }
0x1eb: {  	v19, _, _ =	vpop (xrf0)  }
0x1ec: {  	(v2sf) =	vpush v19, $0xF;
	_ =	sdelay $0x2  }
0x1ed: {  	s17 =	simm.s32 $0x1;
	s16 =	spop (v2sf)  }
0x1ee: {  	v19 =	vmov s17;
	s1 =	sadd.s32 s16, s1  }
0x1ef: {  	v19 =	vand.u32 $0x7F, v19;
	s19 =	sadd.s32 $0x80000000, s1  }
0x1f0: {  	v17 =	vor.u32 v10, v17;
	[tilespmem:s19+$0x9100] =	vst.msk vm2, v18;
	v18 =	vadd.s32 v16, v19  }
0x1f1: {  	[tilespmem:s19+$0xA180] =	vst.msk vm2, v17;
	v17 =	vbroadcast v18, $0x0;
	_ =	sdelay $0x1  }
0x1f2: {  	s13 =	sadd.s32 $0x80, s12  }
0x1f3: {  	v18 =	vld [tilespmem:s13+$0xFFFFFFC0];
	_ =	sdelay $0x2  }
0x1f4: {  	v17 =	vld.idx.msk [tilespmem:v17+s2+$0x0], $0xffff;
	_ =	sdelay $0x1  }
0x1f5: {  	s16 =	spop (v2sf);
	vm2 =	vle.f32 v18, v15  }
0x1f6: {  	s1 =	simm.s32 $0x2;
	s15 =	sadd.s32 s16, s19;
	v19 =	vmpcnt.ones.xlane vm2  }
.LBB2_8:
0x1f7: {  	p0 =	sne.s32 s1, $0x1F  }
0x1f8: {  	v17 =	vshll.u32 v17, $0x7;
	s16 =	sadd.s32 $0x80000000, s15;
	s15 =	smov.u32 s1;
	s1 =	sadd.s32 $0x1, s1  }
0x1f9: {  	v20 =	vor.u32 v2, v17;
	[tilespmem:s16+$0x9100] =	vst.msk vm2, v18;
	v18 =	vxor.u32 $0x80000000, v19  }
0x1fa: {  	[tilespmem:s16+$0xA180] =	vst.msk vm2, v20;
	(xrf0) =	vmax.scan.msk.u32 $0xffff, v18  }
0x1fb: {  	v18 =	vld [tilespmem:s13+$0xFFFFFFD0];
	_ =	sdelay $0x4  }
0x1fc: {  	vm2 =	vle.f32 v18, v15;
	v19, _, _ =	vpop (xrf0)  }
0x1fd: {  	v20 =	vmpcnt.ones.xlane vm2;
	(v2sf) =	vpush v19, $0xF;
	_ =	sdelay $0x1  }
0x1fe: {  	v19 =	vxor.u32 $0x80000000, v20  }
0x1ff: {  	(xrf0) =	vmax.scan.msk.u32 $0xffff, v19;
	_ =	sdelay $0x5  }
0x200: {  	v19, _, _ =	vpop (xrf0)  }
0x201: {  	(v2sf) =	vpush v19, $0xF;
	_ =	sdelay $0x4  }
0x202: {  	s17 =	spop (v2sf)  }
0x203: {  	s16 =	sadd.s32 s17, s16  }
0x204: {  	s16 =	sadd.s32 $0x80000000, s16  }
0x205: {  	v19 =	vor.u32 v3, v17;
	[tilespmem:s16+$0x9100] =	vst.msk vm2, v18  }
0x206: {  	[tilespmem:s16+$0xA180] =	vst.msk vm2, v19  }
0x207: {  	v18 =	vld [tilespmem:s13+$0xFFFFFFE0];
	_ =	sdelay $0x4  }
0x208: {  	vm2 =	vle.f32 v18, v15;
	s17 =	spop (v2sf)  }
0x209: {  	s16 =	sadd.s32 s17, s16;
	v19 =	vmpcnt.ones.xlane vm2  }
0x20a: {  	s16 =	sadd.s32 $0x80000000, s16  }
0x20b: {  	v20 =	vor.u32 v4, v17;
	[tilespmem:s16+$0x9100] =	vst.msk vm2, v18;
	v18 =	vxor.u32 $0x80000000, v19  }
0x20c: {  	[tilespmem:s16+$0xA180] =	vst.msk vm2, v20;
	(xrf0) =	vmax.scan.msk.u32 $0xffff, v18  }
0x20d: {  	v18 =	vld [tilespmem:s13+$0xFFFFFFF0];
	_ =	sdelay $0x4  }
0x20e: {  	vm2 =	vle.f32 v18, v15;
	v19, _, _ =	vpop (xrf0)  }
0x20f: {  	v20 =	vmpcnt.ones.xlane vm2;
	(v2sf) =	vpush v19, $0xF;
	_ =	sdelay $0x1  }
0x210: {  	v19 =	vxor.u32 $0x80000000, v20  }
0x211: {  	(xrf0) =	vmax.scan.msk.u32 $0xffff, v19;
	_ =	sdelay $0x5  }
0x212: {  	v19, _, _ =	vpop (xrf0)  }
0x213: {  	(v2sf) =	vpush v19, $0xF;
	_ =	sdelay $0x4  }
0x214: {  	s17 =	spop (v2sf)  }
0x215: {  	s16 =	sadd.s32 s17, s16  }
0x216: {  	s16 =	sadd.s32 $0x80000000, s16  }
0x217: {  	v19 =	vor.u32 v5, v17;
	[tilespmem:s16+$0x9100] =	vst.msk vm2, v18  }
0x218: {  	[tilespmem:s16+$0xA180] =	vst.msk vm2, v19  }
0x219: {  	v18 =	vld [tilespmem:s13+$0x0];
	_ =	sdelay $0x4  }
0x21a: {  	vm2 =	vle.f32 v18, v15;
	s17 =	spop (v2sf)  }
0x21b: {  	s16 =	sadd.s32 s17, s16;
	v19 =	vmpcnt.ones.xlane vm2  }
0x21c: {  	s16 =	sadd.s32 $0x80000000, s16  }
0x21d: {  	v20 =	vor.u32 v6, v17;
	[tilespmem:s16+$0x9100] =	vst.msk vm2, v18;
	v18 =	vxor.u32 $0x80000000, v19  }
0x21e: {  	[tilespmem:s16+$0xA180] =	vst.msk vm2, v20;
	(xrf0) =	vmax.scan.msk.u32 $0xffff, v18  }
0x21f: {  	v18 =	vld [tilespmem:s13+$0x10];
	_ =	sdelay $0x4  }
0x220: {  	vm2 =	vle.f32 v18, v15;
	v19, _, _ =	vpop (xrf0)  }
0x221: {  	v20 =	vmpcnt.ones.xlane vm2;
	(v2sf) =	vpush v19, $0xF;
	_ =	sdelay $0x1  }
0x222: {  	v19 =	vxor.u32 $0x80000000, v20  }
0x223: {  	(xrf0) =	vmax.scan.msk.u32 $0xffff, v19;
	_ =	sdelay $0x5  }
0x224: {  	v19, _, _ =	vpop (xrf0)  }
0x225: {  	(v2sf) =	vpush v19, $0xF;
	_ =	sdelay $0x4  }
0x226: {  	s17 =	spop (v2sf)  }
0x227: {  	s16 =	sadd.s32 s17, s16  }
0x228: {  	s16 =	sadd.s32 $0x80000000, s16  }
0x229: {  	v19 =	vor.u32 v7, v17;
	[tilespmem:s16+$0x9100] =	vst.msk vm2, v18  }
0x22a: {  	[tilespmem:s16+$0xA180] =	vst.msk vm2, v19  }
0x22b: {  	v18 =	vld [tilespmem:s13+$0x20];
	_ =	sdelay $0x4  }
0x22c: {  	vm2 =	vle.f32 v18, v15;
	s17 =	spop (v2sf)  }
0x22d: {  	s16 =	sadd.s32 s17, s16;
	v19 =	vmpcnt.ones.xlane vm2  }
0x22e: {  	s16 =	sadd.s32 $0x80000000, s16  }
0x22f: {  	v20 =	vor.u32 v8, v17;
	[tilespmem:s16+$0x9100] =	vst.msk vm2, v18;
	v18 =	vxor.u32 $0x80000000, v19  }
0x230: {  	[tilespmem:s16+$0xA180] =	vst.msk vm2, v20;
	(xrf0) =	vmax.scan.msk.u32 $0xffff, v18  }
0x231: {  	v18 =	vld [tilespmem:s13+$0x30];
	_ =	sdelay $0x4  }
0x232: {  	vm2 =	vle.f32 v18, v15;
	v19, _, _ =	vpop (xrf0)  }
0x233: {  	v20 =	vmpcnt.ones.xlane vm2;
	(v2sf) =	vpush v19, $0xF;
	_ =	sdelay $0x1  }
0x234: {  	v19 =	vxor.u32 $0x80000000, v20  }
0x235: {  	(xrf0) =	vmax.scan.msk.u32 $0xffff, v19;
	_ =	sdelay $0x5  }
0x236: {  	v19, _, _ =	vpop (xrf0)  }
0x237: {  	(v2sf) =	vpush v19, $0xF;
	_ =	sdelay $0x1  }
0x238: {  	v19 =	vmov s15  }
0x239: {  	v19 =	vand.u32 $0x7F, v19  }
0x23a: {  	v19 =	vadd.s32 v16, v19  }
0x23b: {  	v19 =	vbroadcast v19, $0x0;
	s15 =	spop (v2sf)  }
0x23c: {  	s15 =	sadd.s32 s15, s16  }
0x23d: {  	s15 =	sadd.s32 $0x80000000, s15  }
0x23e: {  	v17 =	vor.u32 v10, v17;
	[tilespmem:s15+$0x9100] =	vst.msk vm2, v18  }
0x23f: {  	s13 =	sadd.s32 $0x80, s13;
	[tilespmem:s15+$0xA180] =	vst.msk vm2, v17  }
0x240: {  	v18 =	vld [tilespmem:s13+$0xFFFFFFC0]  }
0x241: {  	v17 =	vld.idx.msk [tilespmem:v19+s2+$0x0], $0xffff  }
.Ltmp8:
0x242: {  	(pc) =	sbr.rel @p0 .LBB2_8-.Ltmp8, $3  }
0x243: {  	_ =	sdelay $0x1  }
0x244: {  	vm2 =	vle.f32 v18, v15;
	s16 =	spop (v2sf)  }
0x245: {  	v19 =	vmpcnt.ones.xlane vm2;
	s15 =	sadd.s32 s16, s15  }
0x246: {  	v16 =	vshll.u32 v17, $0x7;
	s1 =	sadd.s32 $0x80000000, s15  }
0x247: {  	v17 =	vor.u32 v2, v16;
	[tilespmem:s1+$0x9100] =	vst.msk vm2, v18  }
0x248: {  	[tilespmem:s1+$0xA180] =	vst.msk vm2, v17  }
0x249: {  	v17 =	vxor.u32 $0x80000000, v19;
	v18 =	vld [tilespmem:s13+$0xFFFFFFD0]  }
0x24a: {  	(xrf0) =	vmax.scan.msk.u32 $0xffff, v17;
	_ =	sdelay $0x3  }
0x24b: {  	vm2 =	vle.f32 v18, v15  }
0x24c: {  	v17 =	vmpcnt.ones.xlane vm2  }
0x24d: {  	v19, _, _ =	vpop (xrf0)  }
0x24e: {  	(v2sf) =	vpush v19, $0xF;
	v17 =	vxor.u32 $0x80000000, v17  }
0x24f: {  	(xrf0) =	vmax.scan.msk.u32 $0xffff, v17;
	_ =	sdelay $0x5  }
0x250: {  	v17, _, _ =	vpop (xrf0)  }
0x251: {  	(v2sf) =	vpush v17, $0xF;
	_ =	sdelay $0x6  }
0x252: {  	s4 =	spop (v2sf)  }
0x253: {  	s1 =	sadd.s32 s4, s1  }
0x254: {  	s1 =	sadd.s32 $0x80000000, s1  }
0x255: {  	v17 =	vor.u32 v3, v16;
	[tilespmem:s1+$0x9100] =	vst.msk vm2, v18  }
0x256: {  	[tilespmem:s1+$0xA180] =	vst.msk vm2, v17  }
0x257: {  	v17 =	vld [tilespmem:s13+$0xFFFFFFE0];
	_ =	sdelay $0x2  }
0x258: {  	s16 =	spop (v2sf)  }
0x259: {  	s1 =	sadd.s32 s16, s1  }
0x25a: {  	vm2 =	vle.f32 v17, v15;
	s1 =	sadd.s32 $0x80000000, s1  }
0x25b: {  	v19 =	vor.u32 v4, v16;
	v18 =	vmpcnt.ones.xlane vm2;
	[tilespmem:s1+$0x9100] =	vst.msk vm2, v17  }
0x25c: {  	[tilespmem:s1+$0xA180] =	vst.msk vm2, v19  }
0x25d: {  	v17 =	vxor.u32 $0x80000000, v18;
	v18 =	vld [tilespmem:s13+$0xFFFFFFF0]  }
0x25e: {  	(xrf0) =	vmax.scan.msk.u32 $0xffff, v17;
	_ =	sdelay $0x3  }
0x25f: {  	vm2 =	vle.f32 v18, v15  }
0x260: {  	v17 =	vmpcnt.ones.xlane vm2  }
0x261: {  	v19, _, _ =	vpop (xrf0)  }
0x262: {  	(v2sf) =	vpush v19, $0xF;
	v17 =	vxor.u32 $0x80000000, v17  }
0x263: {  	(xrf0) =	vmax.scan.msk.u32 $0xffff, v17;
	_ =	sdelay $0x5  }
0x264: {  	v17, _, _ =	vpop (xrf0)  }
0x265: {  	(v2sf) =	vpush v17, $0xF;
	_ =	sdelay $0x6  }
0x266: {  	s17 =	spop (v2sf)  }
0x267: {  	s1 =	sadd.s32 s17, s1  }
0x268: {  	s1 =	sadd.s32 $0x80000000, s1  }
0x269: {  	v17 =	vor.u32 v5, v16;
	[tilespmem:s1+$0x9100] =	vst.msk vm2, v18  }
0x26a: {  	[tilespmem:s1+$0xA180] =	vst.msk vm2, v17  }
0x26b: {  	v17 =	vld [tilespmem:s13+$0x0];
	_ =	sdelay $0x2  }
0x26c: {  	s19 =	spop (v2sf)  }
0x26d: {  	s1 =	sadd.s32 s19, s1  }
0x26e: {  	vm2 =	vle.f32 v17, v15;
	s1 =	sadd.s32 $0x80000000, s1  }
0x26f: {  	v19 =	vor.u32 v6, v16;
	v18 =	vmpcnt.ones.xlane vm2;
	[tilespmem:s1+$0x9100] =	vst.msk vm2, v17  }
0x270: {  	[tilespmem:s1+$0xA180] =	vst.msk vm2, v19  }
0x271: {  	v17 =	vxor.u32 $0x80000000, v18;
	v18 =	vld [tilespmem:s13+$0x10]  }
0x272: {  	(xrf0) =	vmax.scan.msk.u32 $0xffff, v17;
	_ =	sdelay $0x3  }
0x273: {  	vm2 =	vle.f32 v18, v15  }
0x274: {  	v17 =	vmpcnt.ones.xlane vm2  }
0x275: {  	v19, _, _ =	vpop (xrf0)  }
0x276: {  	(v2sf) =	vpush v19, $0xF;
	v17 =	vxor.u32 $0x80000000, v17  }
0x277: {  	(xrf0) =	vmax.scan.msk.u32 $0xffff, v17;
	_ =	sdelay $0x5  }
0x278: {  	v17, _, _ =	vpop (xrf0)  }
0x279: {  	(v2sf) =	vpush v17, $0xF;
	_ =	sdelay $0x6  }
0x27a: {  	s4 =	spop (v2sf)  }
0x27b: {  	s1 =	sadd.s32 s4, s1  }
0x27c: {  	s1 =	sadd.s32 $0x80000000, s1  }
0x27d: {  	v17 =	vor.u32 v7, v16;
	[tilespmem:s1+$0x9100] =	vst.msk vm2, v18  }
0x27e: {  	[tilespmem:s1+$0xA180] =	vst.msk vm2, v17  }
0x27f: {  	v17 =	vld [tilespmem:s13+$0x20];
	_ =	sdelay $0x2  }
0x280: {  	s16 =	spop (v2sf)  }
0x281: {  	s1 =	sadd.s32 s16, s1  }
0x282: {  	vm2 =	vle.f32 v17, v15;
	s1 =	sadd.s32 $0x80000000, s1  }
0x283: {  	v18 =	vor.u32 v8, v16;
	[tilespmem:s1+$0x9100] =	vst.msk vm2, v17  }
0x284: {  	[tilespmem:s1+$0xA180] =	vst.msk vm2, v18  }
0x285: {  	v17 =	vld [tilespmem:s13+$0x30];
	_ =	sdelay $0x3  }
0x286: {  	v18 =	vmpcnt.ones.xlane vm2  }
0x287: {  	vm2 =	vle.f32 v17, v15  }
0x288: {  	v15 =	vxor.u32 $0x80000000, v18;
	v18 =	vmpcnt.ones.xlane vm2  }
0x289: {  	(xrf0) =	vmax.scan.msk.u32 $0xffff, v15  }
0x28a: {  	v15 =	vxor.u32 $0x80000000, v18  }
0x28b: {  	(xrf0) =	vmax.scan.msk.u32 $0xffff, v15;
	_ =	sdelay $0x3  }
0x28c: {  	v15, _, _ =	vpop (xrf0)  }
0x28d: {  	(v2sf) =	vpush v15, $0xF  }
0x28e: {  	v15, _, _ =	vpop (xrf0)  }
0x28f: {  	(v2sf) =	vpush v15, $0xF;
	_ =	sdelay $0xc  }
0x290: {  	s17 =	spop (v2sf)  }
0x291: {  	s1 =	sadd.s32 s17, s1  }
0x292: {  	s1 =	sadd.s32 $0x80000000, s1;
	s19 =	spop (v2sf)  }
0x293: {  	s13 =	sadd.s32 s19, s1  }
0x294: {  	s13 =	sadd.s32 $0x80000000, s13  }
0x295: {  	s4 =	sadd.s32 $0xF, s13  }
0x296: {  	s16 =	sand.u32 $0xF, s4  }
0x297: {  	s17 =	sshra.s32 s4, $0x1F;
	p1 =	slt.s32 s4, $0x1;
	p0 =	sne.s32 s16, $0x0  }
.Ltmp9:
0x298: {  	s16 =	sshrl.u32 s17, $0x1C;
	p0 =	por !p1, !p0;
	(pc) =	sbr.rel .LBB2_10-.Ltmp9, $4  }
0x299: {  	v15 =	vor.u32 v10, v16;
	[tilespmem:s1+$0x9100] =	vst.msk vm2, v17;
	s15 =	sadd.s32 s16, s4;
	s16 =	simm.s32 $0x1;
	p0 =	por !p0, !p0  }
0x29a: {  	[tilespmem:s1+$0xA180] =	vst.msk vm2, v15;
	s19 =	sshra.s32 s15, $0x4;
	s16 =	simm.s32 @!p0 $0x0  }
0x29b: {  	v18 =	vimm.f32 $0.0e+00;
	[tilespmem:s13+$0x9100] =	vst v0;
	s1 =	ssub.s32 s19, s16  }
0x29c: {  	v16 =	vimm.s32 $0x0;
	v17 =	vimm.f32 $0.0e+00;
	v15 =	vimm.s32 $0x0;
	[tilespmem:s13+$0xA180] =	vst v11;
	s13 =	simm.s32 $0x0;
	p0 =	slt.s32 s1, $0x1  }
.LBB2_17:
0x29d: {  	vm2 =	veq.f32 v21, v19;
	vm3 =	veq.s32 v22, v20  }
0x29e: {  	vm2 =	vmand vm2, vm3  }
0x29f: {  	v21 =	vsel vm2, $0x7F61B1E6, v21  }
0x2a0: {  	[tilespmem:s16+$0x0] =	vst v21  }
.LBB2_18:
0x2a1: {  	p1 =	slt.u32 s13, $0x10;
	vm2 =	vmmov vm0  }
0x2a2: {  	s15 =	sand.u32 $0xF, s13;
	vm4 =	vmmov vm0;
	vm2 =	vmneg @p1 vm2;
	p1 =	sgt.u32 s13, $0xF;
	s13 =	sadd.s32 $0x1, s13  }
0x2a3: {  	vm4 =	vmneg @p1 vm4;
	p1 =	sne.s32 s13, $0x20  }
.Ltmp10:
0x2a4: {  	v21 =	vmov s15;
	(pc) =	sbr.rel @!p1 .LBB2_19-.Ltmp10, $4  }
0x2a5: {  	vm3 =	veq.s32 v21, v2  }
0x2a6: {  	vm2 =	vmand vm2, vm3  }
0x2a7: {  	vm3 =	vmand vm4, vm3;
	v18 =	vsel vm2, v19, v18  }
0x2a8: {  	v16 =	vsel vm2, v20, v16;
	v17 =	vsel vm3, v19, v17;
	v15 =	vsel vm3, v20, v15  }
.LBB2_10:
.Ltmp11:
0x2a9: {  	(pc) =	sbr.rel @p0 .LBB2_18-.Ltmp11, $2  }
0x2aa: {  	_ =	sdelay $0x2  }
0x2ab: {  	v20 =	vmov v9;
	v19 =	vmov v1  }
0x2ac: {  	p1 =	sne.s32 s1, $0x1  }
.Ltmp12:
0x2ad: {  	_ = 	snop;
	(pc) =	sbr.rel @!p1 .LBB2_13-.Ltmp12, $3  }
0x2ae: {  	_ =	sdelay $0x1  }
0x2af: {  	s15 =	simm.s32 $0x9100  }
0x2b0: {  	v19 =	vimm.f32 $3.000000010e+38;
	s16 =	sadd.s32 $0xFFFFFFFF, s1;
	s17 =	simm.s32 $0x9100;
	v20 =	vld [tilespmem:s15+$0x0]  }
.LBB2_12:
0x2b1: {  	p2 =	sne.s32 s16, $0x1  }
.Ltmp13:
0x2b2: {  	_ = 	snop;
	(pc) =	sbr.rel @p2 .LBB2_12-.Ltmp13, $3  }
0x2b3: {  	_ =	sdelay $0x1  }
0x2b4: {  	s16 =	sadd.s32 $0xFFFFFFFF, s16;
	s17 =	sadd.s32 $0x10, s17;
	v19 =	vmin.f32 v19, v20  }
0x2b5: {  	v20 =	vld [tilespmem:s17+$0x0]  }
.LBB2_13:
0x2b6: {  	_ =	sdelay $0x3  }
0x2b7: {  	v19 =	vmin.f32 v19, v20  }
0x2b8: {  	(xrf0) =	vmin.scan.msk.f32 $0xffff, v19;
	_ =	sdelay $0x3  }
0x2b9: {  	v22 =	vld [tilespmem:s15+$0x0];
	s15 =	simm.s32 $0xA180  }
.Ltmp14:
0x2ba: {  	v21 =	vld [tilespmem:s15+$0x0];
	(pc) =	sbr.rel @!p1 .LBB2_15-.Ltmp14, $3  }
0x2bb: {  	v19, _, _ =	vpop (xrf0)  }
0x2bc: {  	v19 =	vbroadcast v19, $0xF;
	_ =	sdelay $0x1  }
0x2bd: {  	s16 =	sadd.s32 $0xFFFFFFFF, s1;
	s17 =	simm.s32 $0x9110;
	s19 =	simm.s32 $0xA180;
	v20 =	vimm.s32 $0x7FFFFFFF;
	vm2 =	veq.f32 v22, v19  }
.LBB2_14:
0x2be: {  	v22 =	vld [tilespmem:s17+$0x0];
	p2 =	sne.s32 s16, $0x1;
	s16 =	sadd.s32 $0xFFFFFFFF, s16;
	v23 =	vnsel vm2, $0x7FFFFFFF, v21;
	s19 =	sadd.s32 $0x10, s19  }
.Ltmp15:
0x2bf: {  	v21 =	vld [tilespmem:s19+$0x0];
	vm2 =	vlt.s32 v20, v23;
	(pc) =	sbr.rel @p2 .LBB2_14-.Ltmp15, $2  }
0x2c0: {  	v20 =	vsel vm2, v20, v23;
	_ =	sdelay $0x2  }
0x2c1: {  	s17 =	sadd.s32 $0x10, s17;
	vm2 =	veq.f32 v22, v19  }
.LBB2_15:
0x2c2: {  	v21 =	vnsel vm2, $0x7FFFFFFF, v21  }
0x2c3: {  	vm2 =	vlt.s32 v20, v21  }
0x2c4: {  	v20 =	vsel vm2, v20, v21  }
0x2c5: {  	v20 =	vxor.u32 $0x80000000, v20  }
0x2c6: {  	(xrf0) =	vmin.scan.msk.u32 $0xffff, v20;
	_ =	sdelay $0x5  }
0x2c7: {  	v20, _, _ =	vpop (xrf0)  }
0x2c8: {  	(v2sf) =	vpush v20, $0xF;
	_ =	sdelay $0xb  }
0x2c9: {  	s16 =	simm.s32 $0x9100;
	v22 =	vld [tilespmem:s15+$0x0]  }
.Ltmp16:
0x2ca: {  	v21 =	vld [tilespmem:s16+$0x0];
	(pc) =	sbr.rel @!p1 .LBB2_17-.Ltmp16, $4  }
0x2cb: {  	_ = 	snop  }
0x2cc: {  	s17 =	spop (v2sf)  }
0x2cd: {  	s17 =	sxor.u32 $0x80000000, s17  }
0x2ce: {  	v20 =	vmov s17;
	s17 =	sadd.s32 $0xFFFFFFFF, s1  }
.LBB2_16:
0x2cf: {  	p1 =	sne.s32 s17, $0x1;
	_ =	sdelay $0x3  }
0x2d0: {  	vm2 =	veq.f32 v21, v19;
	vm3 =	veq.s32 v22, v20  }
.Ltmp17:
0x2d1: {  	vm2 =	vmand vm2, vm3;
	(pc) =	sbr.rel @p1 .LBB2_16-.Ltmp17, $4  }
0x2d2: {  	v21 =	vsel vm2, $0x7F61B1E6, v21  }
0x2d3: {  	[tilespmem:s16+$0x0] =	vst v21;
	s16 =	sadd.s32 $0x10, s16  }
0x2d4: {  	s15 =	sadd.s32 $0x10, s15;
	v21 =	vld [tilespmem:s16+$0x0]  }
0x2d5: {  	s17 =	sadd.s32 $0xFFFFFFFF, s17;
	v22 =	vld [tilespmem:s15+$0x0]  }
.Ltmp18:
0x2d6: {  	_ = 	snop;
	(pc) =	sbr.rel .LBB2_17-.Ltmp18, $1  }
0x2d7: {  	_ =	sdelay $0x3  }
.LBB2_22:
0x2d8: {  	_ =	sfence.sel $0x180000  }
0x2d9: {  	[bflag:$0x0] =	sbarrier.arrive $0xFFFF  }
0x2da: {  	_ =	strace $0x90000047  }
0x2db: {  	s0 =	stileid.u32;
	[bflag:$0x2] =	sbarrier.arrive $0xFFFF  }
0x2dc: {  	p0 =	sne.s32 s0, $0x0;
	s0 =	rddreg [dreg:$0x3]  }
0x2dd: {  	s0 =	sadd.s32 @!p0 $0x100000, s0  }
0x2de: {  	[sflag:s0] =	ssyncadd.tile.s32 @!p0 $0x1;
	_ =	shalt  }
.Lfunc_end2:
_tile_overlayer_lowered:
.L_overlay_start_2:
0x2df: {  	(tag) =	ssettag $0x2  }
0x2e0: {  	s0 =	rddreg [dreg:$0x0];
	s2 =	stileid.u32  }
0x2e1: {  	s1 =	rddreg [dreg:$0x1];
	p0 =	sne.s32 s2, $0x0  }
0x2e2: {  	s3 =	rddreg [dreg:$0x2];
	[bflag:$0x3] =	sbarrier.arrive $0xFFFF;
	s2 =	simm.s32 @!p0 $0x1C02  }
0x2e3: {  	[timem:s3], [sflag:s2] =	dma.local @!p0 [hbm:s0], s1  }
0x2e4: {  	s0 =	simm.s32 @!p0 $0x2  }
0x2e5: {  	_ =	swait.ge @!p0 [sflag:s0], s1  }
0x2e6: {  	s1 =	ssub.s32 @!p0 $0x0, s1;
	[sflag:s0] =	ssyncset.done @!p0 $0x0  }
0x2e7: {  	[sflag:s0] =	ssyncadd.s32 @!p0 s1  }
0x2e8: {  	[bflag:$0x3] =	sbarrier.arrive $0xFFFF  }
0x2e9: {  	_ =	shalt  }

</sc_bundles>
